<compile_context>
chip_gen: v7x
topology: tpu7x:2x2x1
jax: 0.10.2.dev20260603
libtpu: 0.0.44.dev20260713+nightly
codegen_flags: <defaults>
</compile_context>

<pallas_src>
import functools

import jax
import jax.numpy as jnp
from jax import lax
from jax.experimental import pallas as pl
from jax.experimental.pallas import tpu as pltpu
from jax.experimental.pallas import tpu_sc as plsc

BATCH = 4096
SEQ = 200
EMBED = 64
HIDDEN = 256
NUM_CLASSES = 10
OUT_PAD = 128

_NC = 2
_NS = 16
_NW = _NC * _NS
_RPW = BATCH // _NW

_CHUNKS = ((0, 128), (128, 72))
_NSLOT = 4
_AHEAD = 3


def _pool_body(x_hbm, e_hbm, out_hbm, xv, bv0, bv1, bv2, bv3, outv,
               sem0, sem1, sem2, sem3):
    wid = lax.axis_index("s") * _NC + lax.axis_index("c")
    base = wid * _RPW
    pltpu.sync_copy(x_hbm.at[pl.ds(base, _RPW)], xv)

    bufs = (bv0, bv1, bv2, bv3)
    sems = (sem0, sem1, sem2, sem3)
    inv_seq = 1.0 / SEQ

    def copies(row, slot):
        return [
            pltpu.make_async_copy(
                e_hbm.at[xv.at[row, pl.ds(off, cnt)]],
                bufs[slot].at[pl.ds(off, cnt)],
                sems[slot])
            for (off, cnt) in _CHUNKS
        ]

    def accumulate(row, slot):
        bs = bufs[slot]

        def acc_step(i, accs):
            s = 4 * i
            new = list(accs)
            for u in range(4):
                for j in range(4):
                    new[j] = new[j] + bs[s + u, pl.ds(16 * j, 16)]
            return tuple(new)

        zero = jnp.zeros((16,), jnp.float32)
        accs = lax.fori_loop(0, SEQ // 4, acc_step, (zero,) * 4)
        for j in range(4):
            outv[row, pl.ds(16 * j, 16)] = accs[j] * inv_seq

    for r in range(_AHEAD):
        for c in copies(r, r % _NSLOT):
            c.start()

    def group_step(i, carry):
        for j in range(_NSLOT):
            row = _NSLOT * i + j
            for c in copies(row, j):
                c.wait()
            nrow = row + _AHEAD
            nslot = (j + _AHEAD) % _NSLOT

            @pl.when(nrow < _RPW)
            def _():
                for c in copies(nrow, nslot):
                    c.start()

            accumulate(row, j)
        return carry

    lax.fori_loop(0, _RPW // _NSLOT, group_step, 0)
    pltpu.sync_copy(outv, out_hbm.at[pl.ds(base, _RPW)])


VOCAB = 100000
_NTC = VOCAB // 128
_TAIL = VOCAB - _NTC * 128
_TCQ, _TCR = divmod(_NTC, _NW)


def _conv_body(et_hbm, tail_hbm, out_hbm, iv0, iv1, ov0, ov1, semi0, semi1,
               semo0, semo1):
    wid = lax.axis_index("s") * _NC + lax.axis_index("c")
    start = wid * _TCQ + jnp.minimum(wid, _TCR)
    count = _TCQ + jnp.where(wid < _TCR, 1, 0)

    ibufs, obufs = (iv0, iv1), (ov0, ov1)
    isems, osems = (semi0, semi1), (semo0, semo1)

    def stage(tc, slot):
        return pltpu.make_async_copy(
            et_hbm.at[:, pl.ds(tc * 128, 128)], ibufs[slot], isems[slot])

    def flush(tc, slot):
        return pltpu.make_async_copy(
            obufs[slot], out_hbm.at[pl.ds(tc * 64, 64)], osems[slot])

    lanes = lax.iota(jnp.int32, 16)
    evecs = [lanes + (16 * j) for j in range(4)]

    def transpose_block(slot):
        ib, ob = ibufs[slot], obufs[slot]

        def diag_step(d, carry):
            perm = lax.rem(lanes + d, 16)
            permh = lax.shift_right_logical(perm, 1)
            permb = lax.shift_left(lax.rem(perm, 2), 6)
            lvecs = [permb + evecs[j] for j in range(4)]
            for c0 in range(0, 128, 32):
                cva = perm + c0
                cvb = perm + (c0 + 16)
                kva = permh + (c0 // 2)
                kvb = permh + (c0 // 2 + 8)
                vs = [plsc.load_gather(ib, [evecs[j], cva]) for j in range(4)]
                vs += [plsc.load_gather(ib, [evecs[j], cvb]) for j in range(4)]
                for j in range(4):
                    plsc.store_scatter(ob, [kva, lvecs[j]], vs[j])
                for j in range(4):
                    plsc.store_scatter(ob, [kvb, lvecs[j]], vs[4 + j])
            return carry

        lax.fori_loop(0, 16, diag_step, 0)

    stage(start, 0).start()

    def step(i, carry):
        for s in range(2):
            tc = 2 * i + s
            @pl.when(tc < count)
            def _():
                stage(start + tc, s).wait()
                nt = tc + 1
                @pl.when(nt < count)
                def _():
                    stage(start + nt, 1 - s).start()
                @pl.when(tc >= 2)
                def _():
                    flush(start + tc - 2, s).wait()
                transpose_block(s)
                flush(start + tc, s).start()
        return carry

    lax.fori_loop(0, (_TCQ + 2) // 2, step, 0)

    @pl.when(wid < _TCR)
    def _():
        n = _TCQ + 1
        flush(start + n - 2, (n - 2) % 2).wait()
        flush(start + n - 1, (n - 1) % 2).wait()

    @pl.when(wid >= _TCR)
    def _():
        n = _TCQ
        flush(start + n - 2, (n - 2) % 2).wait()
        flush(start + n - 1, (n - 1) % 2).wait()

    @pl.when(wid == _NW - 1)
    def _():
        pltpu.sync_copy(tail_hbm, iv0.at[pl.ds(0, _TAIL // 2)])
        pltpu.sync_copy(iv0.at[pl.ds(0, _TAIL // 2)],
                        out_hbm.at[pl.ds(_NTC * 64, _TAIL // 2)])


@jax.jit
def _convert_table(E):
    mesh = plsc.VectorSubcoreMesh(core_axis_name="c", subcore_axis_name="s")
    out = pl.kernel(
        _conv_body,
        out_type=jax.ShapeDtypeStruct((VOCAB // 2, 128), jnp.float32),
        mesh=mesh,
        scratch_types=[
            pltpu.VMEM((EMBED, 128), jnp.float32),
            pltpu.VMEM((EMBED, 128), jnp.float32),
            pltpu.VMEM((EMBED, 128), jnp.float32),
            pltpu.VMEM((EMBED, 128), jnp.float32),
            pltpu.SemaphoreType.DMA,
            pltpu.SemaphoreType.DMA,
            pltpu.SemaphoreType.DMA,
            pltpu.SemaphoreType.DMA,
        ],
        compiler_params=pltpu.CompilerParams(
            use_tc_tiling_on_sc=True, needs_layout_passes=False),
    )(E.T, lax.slice(E, (VOCAB - _TAIL, 0), (VOCAB, EMBED))
           .reshape(_TAIL // 2, 2 * EMBED))
    return out.reshape(VOCAB, EMBED)


@jax.jit
def _pool(x, E):
    mesh = plsc.VectorSubcoreMesh(core_axis_name="c", subcore_axis_name="s")
    return pl.kernel(
        _pool_body,
        out_type=jax.ShapeDtypeStruct((BATCH, EMBED), jnp.float32),
        mesh=mesh,
        scratch_types=[
            pltpu.VMEM((_RPW, SEQ), jnp.int32),
            pltpu.VMEM((SEQ, EMBED), jnp.float32),
            pltpu.VMEM((SEQ, EMBED), jnp.float32),
            pltpu.VMEM((SEQ, EMBED), jnp.float32),
            pltpu.VMEM((SEQ, EMBED), jnp.float32),
            pltpu.VMEM((_RPW, EMBED), jnp.float32),
            pltpu.SemaphoreType.DMA,
            pltpu.SemaphoreType.DMA,
            pltpu.SemaphoreType.DMA,
            pltpu.SemaphoreType.DMA,
        ],
        compiler_params=pltpu.CompilerParams(use_tc_tiling_on_sc=False),
    )(x, E)


def _mlp_body(p1_ref, p2_ref, p3_ref, w1a_ref, w1b_ref, w1c_ref, b1_ref,
              w2_ref, b2_ref, o_ref):
    h = jnp.dot(p1_ref[...], w1a_ref[...], preferred_element_type=jnp.float32)
    h += jnp.dot(p2_ref[...], w1b_ref[...], preferred_element_type=jnp.float32)
    h += jnp.dot(p3_ref[...], w1c_ref[...], preferred_element_type=jnp.float32)
    h = jnp.maximum(h + b1_ref[...], 0.0)
    o_ref[...] = (
        jnp.dot(h, w2_ref[...], preferred_element_type=jnp.float32)
        + b2_ref[...])


@jax.jit
def _mlp(p1, p2, p3, W1a, W1b, W1c, b1, W2p, b2p):
    blk = 256
    grid = BATCH // blk
    full = lambda i: (0, 0)
    return pl.pallas_call(
        _mlp_body,
        grid=(grid,),
        in_specs=[
            pl.BlockSpec((blk, EMBED), lambda i: (i, 0)),
            pl.BlockSpec((blk, EMBED), lambda i: (i, 0)),
            pl.BlockSpec((blk, EMBED), lambda i: (i, 0)),
            pl.BlockSpec((EMBED, HIDDEN), full),
            pl.BlockSpec((EMBED, HIDDEN), full),
            pl.BlockSpec((EMBED, HIDDEN), full),
            pl.BlockSpec((1, HIDDEN), full),
            pl.BlockSpec((HIDDEN, OUT_PAD), full),
            pl.BlockSpec((1, OUT_PAD), full),
        ],
        out_specs=pl.BlockSpec((blk, OUT_PAD), lambda i: (i, 0)),
        out_shape=jax.ShapeDtypeStruct((BATCH, OUT_PAD), jnp.float32),
    )(p1, p2, p3, W1a, W1b, W1c, b1, W2p, b2p)


def kernel(x, E1, E2, E3, W1, b1, W2, b2):
    xi = x.astype(jnp.int32)
    p1 = _pool(xi, _convert_table(E1))
    p2 = _pool(xi, _convert_table(E2))
    p3 = _pool(xi, _convert_table(E3))
    W2p = jnp.pad(W2, ((0, 0), (0, OUT_PAD - NUM_CLASSES)))
    b2p = jnp.pad(b2, (0, OUT_PAD - NUM_CLASSES)).reshape(1, OUT_PAD)
    out = _mlp(p1, p2, p3, W1[:EMBED], W1[EMBED:2 * EMBED], W1[2 * EMBED:],
               b1.reshape(1, HIDDEN), W2p, b2p)
    return out[:, :NUM_CLASSES]

# --- scband reference (transcript-rebuilt; emitter-appended) ---
"""Pipeline reference for scband-fast-text-model-30013231464974 (READ-ONLY COPY).

The authoritative reference and input builder live on the scoring server;
editing this copy changes nothing except your own understanding.
"""

import jax, jax.numpy as jnp
import numpy as np

VOCAB = 100000
EMBED = 64
HIDDEN = 256
NUM_CLASSES = 10
BATCH = 4096
SEQ = 200

def setup_inputs(seed: int = 0) -> dict:
    key = jax.random.key(seed)
    k_x, k_e1, k_e2, k_e3, k_w1, k_b1, k_w2, k_b2 = jax.random.split(key, 8)
    x = jax.random.randint(k_x, (BATCH, SEQ), 0, VOCAB, dtype=jnp.int64 if jax.config.jax_enable_x64 else jnp.int32)
    E1 = jax.random.normal(k_e1, (VOCAB, EMBED), dtype=jnp.float32) * 0.02
    E2 = jax.random.normal(k_e2, (VOCAB, EMBED), dtype=jnp.float32) * 0.02
    E3 = jax.random.normal(k_e3, (VOCAB, EMBED), dtype=jnp.float32) * 0.02
    W1 = jax.random.normal(k_w1, (EMBED * 3, HIDDEN), dtype=jnp.float32) * (1.0 / np.sqrt(EMBED * 3))
    b1 = jnp.zeros((HIDDEN,), dtype=jnp.float32)
    W2 = jax.random.normal(k_w2, (HIDDEN, NUM_CLASSES), dtype=jnp.float32) * (1.0 / np.sqrt(HIDDEN))
    b2 = jnp.zeros((NUM_CLASSES,), dtype=jnp.float32)
    return {"x": x, "E1": E1, "E2": E2, "E3": E3, "W1": W1, "b1": b1, "W2": W2, "b2": b2}

def reference(x, E1, E2, E3, W1, b1, W2, b2):
    # embedding lookups (gather) - SparseCore friendly
    out_word = jnp.take(E1, x, axis=0)      # [B, S, EMBED]
    out_bigram = jnp.take(E2, x, axis=0)    # [B, S, EMBED]
    out_trigram = jnp.take(E3, x, axis=0)   # [B, S, EMBED]
    out = jnp.concatenate((out_word, out_bigram, out_trigram), axis=-1)  # [B, S, 3*EMBED]
    out = jnp.mean(out, axis=1)             # [B, 3*EMBED]
    # dropout is identity at inference (p=0.5 train-only)
    out = out @ W1 + b1
    out = jax.nn.relu(out)
    out = out @ W2 + b2
    return out

if __name__ == "__main__":
    import jax
    _d = setup_inputs()
    print(jax.jit(kernel)(*tuple(_d.values())))

</pallas_src>

<mosaic_0001>
#map = affine_map<(d0, d1) -> (0, 0)>
module attributes {stable_mosaic.version = 14 : i64} {
  func.func @_conv_body(%arg0: i32, %arg1: i32, %arg2: memref<64x100000xf32, #tpu.memory_space<hbm>>, %arg3: memref<16x128xf32, #tpu.memory_space<hbm>>, %arg4: memref<50000x128xf32, #tpu.memory_space<hbm>>, %arg5: memref<64x128xf32, #tpu.memory_space<vmem>>, %arg6: memref<64x128xf32, #tpu.memory_space<vmem>>, %arg7: memref<64x128xf32, #tpu.memory_space<vmem>>, %arg8: memref<64x128xf32, #tpu.memory_space<vmem>>, %arg9: memref<!tpu.dma_semaphore, #tpu.memory_space<semaphore_mem>>, %arg10: memref<!tpu.dma_semaphore, #tpu.memory_space<semaphore_mem>>, %arg11: memref<!tpu.dma_semaphore, #tpu.memory_space<semaphore_mem>>, %arg12: memref<!tpu.dma_semaphore, #tpu.memory_space<semaphore_mem>>) attributes {dimension_semantics = [#tpu.dimension_semantics<core_parallel>, #tpu.dimension_semantics<subcore_parallel>], iteration_bounds = array<i64: 2, 16>, scalar_prefetch = 0 : i64, scratch_operands = 8 : i64, tpu.core_type = #tpu.core_type<sc_vector_subcore>, window_params = [{transform_indices = #map}, {transform_indices = #map}, {transform_indices = #map}]} {
    %mul3A = arith.constant 2 : i32
    %mul3A_0 = arith.muli %arg1, %mul3A : i32
    %add3A = arith.addi %mul3A_0, %arg0 : i32
    %mul3A_1 = arith.constant 24 : i32
    %mul3A_2 = arith.muli %add3A, %mul3A_1 : i32
    %min3A = arith.constant 13 : i32
    %min3A_3 = arith.minsi %add3A, %min3A : i32
    %add3A_4 = arith.addi %mul3A_2, %min3A_3 : i32
    %lt3A = arith.constant 13 : i32
    %lt3A_5 = arith.cmpi slt, %add3A, %lt3A : i32
    %jit3A = arith.constant 1 : i32
    %jit3A_6 = arith.constant 0 : i32
    %select_n3A = arith.select %lt3A_5, %jit3A, %jit3A_6 : i32
    %add3A_7 = arith.constant 24 : i32
    %add3A_8 = arith.addi %add3A_7, %select_n3A : i32
    %iota3A = tpu.iota {dimensions = array<i32: 0>} : vector<16xi32>
    %add3A_9 = arith.constant 0 : i32
    %add3A_10 = vector.broadcast %add3A_9 : i32 to vector<16xi32>
    %add3A_11 = arith.addi %iota3A, %add3A_10 : vector<16xi32>
    %add3A_12 = arith.constant 16 : i32
    %add3A_13 = vector.broadcast %add3A_12 : i32 to vector<16xi32>
    %add3A_14 = arith.addi %iota3A, %add3A_13 : vector<16xi32>
    %add3A_15 = arith.constant 32 : i32
    %add3A_16 = vector.broadcast %add3A_15 : i32 to vector<16xi32>
    %add3A_17 = arith.addi %iota3A, %add3A_16 : vector<16xi32>
    %add3A_18 = arith.constant 48 : i32
    %add3A_19 = vector.broadcast %add3A_18 : i32 to vector<16xi32>
    %add3A_20 = arith.addi %iota3A, %add3A_19 : vector<16xi32>
    %mul3A_21 = arith.constant 128 : i32
    %mul3A_22 = arith.muli %add3A_4, %mul3A_21 : i32
    %dma_start3A = arith.constant 0 : i32
    %dma_start3A_23 = tpu.memref_slice %arg2[%dma_start3A, %mul3A_22] : memref<64x100000xf32, #tpu.memory_space<hbm>> -> memref<64x128xf32, #tpu.memory_space<hbm>>
    %dma_start3A_24 = arith.constant 0 : i32
    %dma_start3A_25 = tpu.memref_slice %arg2[%dma_start3A_24, %mul3A_22] : memref<64x100000xf32, #tpu.memory_space<hbm>> -> memref<64x128xf32, #tpu.memory_space<hbm>>
    tpu.enqueue_dma source(%dma_start3A_25 : memref<64x128xf32, #tpu.memory_space<hbm>>) target(%arg5 : memref<64x128xf32, #tpu.memory_space<vmem>>) target_semaphore(%arg9 : memref<!tpu.dma_semaphore, #tpu.memory_space<semaphore_mem>>)
    %scan3A = arith.constant 0 : i32
    %scan3A_26 = arith.constant 0 : i32
    %scan3A_27 = arith.constant 13 : i32
    %scan3A_28 = arith.addi %scan3A_26, %scan3A_27 : i32
    %scan3A_29 = arith.constant 1 : i32
    scf.for %scan3A_42 = %scan3A_26 to %scan3A_28 step %scan3A_29  : i32 {
      %mul3A_43 = arith.constant 2 : i32
      %mul3A_44 = arith.muli %mul3A_43, %scan3A_42 : i32
      %add3A_45 = arith.constant 0 : i32
      %add3A_46 = arith.addi %mul3A_44, %add3A_45 : i32
      %lt3A_47 = arith.cmpi slt, %add3A_46, %add3A_8 : i32
      %convert_element_type3A_48 = arith.extui %lt3A_47 : i1 to i32
      %cond3A_49 = arith.constant 0 : i32
      %cond3A_50 = arith.cmpi ne, %convert_element_type3A_48, %cond3A_49 : i32
      scf.if %cond3A_50 {
        %add3A_59 = arith.addi %add3A_4, %add3A_46 : i32
        %mul3A_60 = arith.constant 128 : i32
        %mul3A_61 = arith.muli %add3A_59, %mul3A_60 : i32
        %dma_wait3A = arith.constant 0 : i32
        %dma_wait3A_62 = tpu.memref_slice %arg2[%dma_wait3A, %mul3A_61] : memref<64x100000xf32, #tpu.memory_space<hbm>> -> memref<64x128xf32, #tpu.memory_space<hbm>>
        %dma_wait3A_63 = arith.constant 0 : i32
        %dma_wait3A_64 = tpu.memref_slice %arg2[%dma_wait3A_63, %mul3A_61] : memref<64x100000xf32, #tpu.memory_space<hbm>> -> memref<64x128xf32, #tpu.memory_space<hbm>>
        tpu.wait_dma2 semaphore(%arg9 : memref<!tpu.dma_semaphore, #tpu.memory_space<semaphore_mem>>) src(%dma_wait3A_64 : memref<64x128xf32, #tpu.memory_space<hbm>>) dst(%arg5 : memref<64x128xf32, #tpu.memory_space<vmem>>)
        %add3A_65 = arith.constant 1 : i32
        %add3A_66 = arith.addi %add3A_46, %add3A_65 : i32
        %lt3A_67 = arith.cmpi slt, %add3A_66, %add3A_8 : i32
        %convert_element_type3A_68 = arith.extui %lt3A_67 : i1 to i32
        %cond3A_69 = arith.constant 0 : i32
        %cond3A_70 = arith.cmpi ne, %convert_element_type3A_68, %cond3A_69 : i32
        scf.if %cond3A_70 {
          %add3A_89 = arith.addi %add3A_4, %add3A_66 : i32
          %mul3A_90 = arith.constant 128 : i32
          %mul3A_91 = arith.muli %add3A_89, %mul3A_90 : i32
          %dma_start3A_92 = arith.constant 0 : i32
          %dma_start3A_93 = tpu.memref_slice %arg2[%dma_start3A_92, %mul3A_91] : memref<64x100000xf32, #tpu.memory_space<hbm>> -> memref<64x128xf32, #tpu.memory_space<hbm>>
          %dma_start3A_94 = arith.constant 0 : i32
          %dma_start3A_95 = tpu.memref_slice %arg2[%dma_start3A_94, %mul3A_91] : memref<64x100000xf32, #tpu.memory_space<hbm>> -> memref<64x128xf32, #tpu.memory_space<hbm>>
          tpu.enqueue_dma source(%dma_start3A_95 : memref<64x128xf32, #tpu.memory_space<hbm>>) target(%arg6 : memref<64x128xf32, #tpu.memory_space<vmem>>) target_semaphore(%arg10 : memref<!tpu.dma_semaphore, #tpu.memory_space<semaphore_mem>>)
        } else {
        }
        %ge3A_71 = arith.constant 2 : i32
        %ge3A_72 = arith.cmpi sge, %add3A_46, %ge3A_71 : i32
        %convert_element_type3A_73 = arith.extui %ge3A_72 : i1 to i32
        %cond3A_74 = arith.constant 0 : i32
        %cond3A_75 = arith.cmpi ne, %convert_element_type3A_73, %cond3A_74 : i32
        scf.if %cond3A_75 {
          %add3A_89 = arith.addi %add3A_4, %add3A_46 : i32
          %sub3A = arith.constant 2 : i32
          %sub3A_90 = arith.subi %add3A_89, %sub3A : i32
          %mul3A_91 = arith.constant 64 : i32
          %mul3A_92 = arith.muli %sub3A_90, %mul3A_91 : i32
          %dma_wait3A_93 = arith.constant 0 : i32
          %dma_wait3A_94 = tpu.memref_slice %arg4[%mul3A_92, %dma_wait3A_93] : memref<50000x128xf32, #tpu.memory_space<hbm>> -> memref<64x128xf32, #tpu.memory_space<hbm>>
          %dma_wait3A_95 = arith.constant 0 : i32
          %dma_wait3A_96 = tpu.memref_slice %arg4[%mul3A_92, %dma_wait3A_95] : memref<50000x128xf32, #tpu.memory_space<hbm>> -> memref<64x128xf32, #tpu.memory_space<hbm>>
          tpu.wait_dma2 semaphore(%arg11 : memref<!tpu.dma_semaphore, #tpu.memory_space<semaphore_mem>>) src(%arg7 : memref<64x128xf32, #tpu.memory_space<vmem>>) dst(%dma_wait3A_96 : memref<64x128xf32, #tpu.memory_space<hbm>>)
        } else {
        }
        %scan3A_76 = arith.constant 0 : i32
        %scan3A_77 = arith.constant 0 : i32
        %scan3A_78 = arith.constant 16 : i32
        %scan3A_79 = arith.addi %scan3A_77, %scan3A_78 : i32
        %scan3A_80 = arith.constant 1 : i32
        scf.for %scan3A_89 = %scan3A_77 to %scan3A_79 step %scan3A_80  : i32 {
          %add3A_90 = vector.broadcast %scan3A_89 : i32 to vector<16xi32>
          %add3A_91 = arith.addi %iota3A, %add3A_90 : vector<16xi32>
          %rem3A = arith.constant 16 : i32
          %rem3A_92 = vector.broadcast %rem3A : i32 to vector<16xi32>
          %rem3A_93 = arith.remsi %add3A_91, %rem3A_92 : vector<16xi32>
          %shift_right_logical3A = arith.constant 1 : i32
          %shift_right_logical3A_94 = vector.broadcast %shift_right_logical3A : i32 to vector<16xi32>
          %shift_right_logical3A_95 = arith.shrui %rem3A_93, %shift_right_logical3A_94 : vector<16xi32>
          %rem3A_96 = arith.constant 2 : i32
          %rem3A_97 = vector.broadcast %rem3A_96 : i32 to vector<16xi32>
          %rem3A_98 = arith.remsi %rem3A_93, %rem3A_97 : vector<16xi32>
          %shift_left3A = arith.constant 6 : i32
          %shift_left3A_99 = vector.broadcast %shift_left3A : i32 to vector<16xi32>
          %shift_left3A_100 = arith.shli %rem3A_98, %shift_left3A_99 : vector<16xi32>
          %add3A_101 = arith.addi %shift_left3A_100, %add3A_11 : vector<16xi32>
          %add3A_102 = arith.addi %shift_left3A_100, %add3A_14 : vector<16xi32>
          %add3A_103 = arith.addi %shift_left3A_100, %add3A_17 : vector<16xi32>
          %add3A_104 = arith.addi %shift_left3A_100, %add3A_20 : vector<16xi32>
          %add3A_105 = arith.constant 0 : i32
          %add3A_106 = vector.broadcast %add3A_105 : i32 to vector<16xi32>
          %add3A_107 = arith.addi %rem3A_93, %add3A_106 : vector<16xi32>
          %add3A_108 = arith.constant 16 : i32
          %add3A_109 = vector.broadcast %add3A_108 : i32 to vector<16xi32>
          %add3A_110 = arith.addi %rem3A_93, %add3A_109 : vector<16xi32>
          %add3A_111 = arith.constant 0 : i32
          %add3A_112 = vector.broadcast %add3A_111 : i32 to vector<16xi32>
          %add3A_113 = arith.addi %shift_right_logical3A_95, %add3A_112 : vector<16xi32>
          %add3A_114 = arith.constant 8 : i32
          %add3A_115 = vector.broadcast %add3A_114 : i32 to vector<16xi32>
          %add3A_116 = arith.addi %shift_right_logical3A_95, %add3A_115 : vector<16xi32>
          %gather3A = tpu.vector_load_idx %arg5[%add3A_11, %add3A_107] : memref<64x128xf32, #tpu.memory_space<vmem>>[vector<16xi32>, vector<16xi32>], vector<16xf32>,
          %gather3A_117 = tpu.vector_load_idx %arg5[%add3A_14, %add3A_107] : memref<64x128xf32, #tpu.memory_space<vmem>>[vector<16xi32>, vector<16xi32>], vector<16xf32>,
          %gather3A_118 = tpu.vector_load_idx %arg5[%add3A_17, %add3A_107] : memref<64x128xf32, #tpu.memory_space<vmem>>[vector<16xi32>, vector<16xi32>], vector<16xf32>,
          %gather3A_119 = tpu.vector_load_idx %arg5[%add3A_20, %add3A_107] : memref<64x128xf32, #tpu.memory_space<vmem>>[vector<16xi32>, vector<16xi32>], vector<16xf32>,
          %gather3A_120 = tpu.vector_load_idx %arg5[%add3A_11, %add3A_110] : memref<64x128xf32, #tpu.memory_space<vmem>>[vector<16xi32>, vector<16xi32>], vector<16xf32>,
          %gather3A_121 = tpu.vector_load_idx %arg5[%add3A_14, %add3A_110] : memref<64x128xf32, #tpu.memory_space<vmem>>[vector<16xi32>, vector<16xi32>], vector<16xf32>,
          %gather3A_122 = tpu.vector_load_idx %arg5[%add3A_17, %add3A_110] : memref<64x128xf32, #tpu.memory_space<vmem>>[vector<16xi32>, vector<16xi32>], vector<16xf32>,
          %gather3A_123 = tpu.vector_load_idx %arg5[%add3A_20, %add3A_110] : memref<64x128xf32, #tpu.memory_space<vmem>>[vector<16xi32>, vector<16xi32>], vector<16xf32>,
          tpu.vector_store_idx %arg7[%add3A_113, %add3A_101], %gather3A : memref<64x128xf32, #tpu.memory_space<vmem>>[vector<16xi32>, vector<16xi32>], vector<16xf32>,
          tpu.vector_store_idx %arg7[%add3A_113, %add3A_102], %gather3A_117 : memref<64x128xf32, #tpu.memory_space<vmem>>[vector<16xi32>, vector<16xi32>], vector<16xf32>,
          tpu.vector_store_idx %arg7[%add3A_113, %add3A_103], %gather3A_118 : memref<64x128xf32, #tpu.memory_space<vmem>>[vector<16xi32>, vector<16xi32>], vector<16xf32>,
          tpu.vector_store_idx %arg7[%add3A_113, %add3A_104], %gather3A_119 : memref<64x128xf32, #tpu.memory_space<vmem>>[vector<16xi32>, vector<16xi32>], vector<16xf32>,
          tpu.vector_store_idx %arg7[%add3A_116, %add3A_101], %gather3A_120 : memref<64x128xf32, #tpu.memory_space<vmem>>[vector<16xi32>, vector<16xi32>], vector<16xf32>,
          tpu.vector_store_idx %arg7[%add3A_116, %add3A_102], %gather3A_121 : memref<64x128xf32, #tpu.memory_space<vmem>>[vector<16xi32>, vector<16xi32>], vector<16xf32>,
          tpu.vector_store_idx %arg7[%add3A_116, %add3A_103], %gather3A_122 : memref<64x128xf32, #tpu.memory_space<vmem>>[vector<16xi32>, vector<16xi32>], vector<16xf32>,
          tpu.vector_store_idx %arg7[%add3A_116, %add3A_104], %gather3A_123 : memref<64x128xf32, #tpu.memory_space<vmem>>[vector<16xi32>, vector<16xi32>], vector<16xf32>,
          %add3A_124 = arith.constant 32 : i32
          %add3A_125 = vector.broadcast %add3A_124 : i32 to vector<16xi32>
          %add3A_126 = arith.addi %rem3A_93, %add3A_125 : vector<16xi32>
          %add3A_127 = arith.constant 48 : i32
          %add3A_128 = vector.broadcast %add3A_127 : i32 to vector<16xi32>
          %add3A_129 = arith.addi %rem3A_93, %add3A_128 : vector<16xi32>
          %add3A_130 = arith.constant 16 : i32
          %add3A_131 = vector.broadcast %add3A_130 : i32 to vector<16xi32>
          %add3A_132 = arith.addi %shift_right_logical3A_95, %add3A_131 : vector<16xi32>
          %add3A_133 = arith.constant 24 : i32
          %add3A_134 = vector.broadcast %add3A_133 : i32 to vector<16xi32>
          %add3A_135 = arith.addi %shift_right_logical3A_95, %add3A_134 : vector<16xi32>
          %gather3A_136 = tpu.vector_load_idx %arg5[%add3A_11, %add3A_126] : memref<64x128xf32, #tpu.memory_space<vmem>>[vector<16xi32>, vector<16xi32>], vector<16xf32>,
          %gather3A_137 = tpu.vector_load_idx %arg5[%add3A_14, %add3A_126] : memref<64x128xf32, #tpu.memory_space<vmem>>[vector<16xi32>, vector<16xi32>], vector<16xf32>,
          %gather3A_138 = tpu.vector_load_idx %arg5[%add3A_17, %add3A_126] : memref<64x128xf32, #tpu.memory_space<vmem>>[vector<16xi32>, vector<16xi32>], vector<16xf32>,
          %gather3A_139 = tpu.vector_load_idx %arg5[%add3A_20, %add3A_126] : memref<64x128xf32, #tpu.memory_space<vmem>>[vector<16xi32>, vector<16xi32>], vector<16xf32>,
          %gather3A_140 = tpu.vector_load_idx %arg5[%add3A_11, %add3A_129] : memref<64x128xf32, #tpu.memory_space<vmem>>[vector<16xi32>, vector<16xi32>], vector<16xf32>,
          %gather3A_141 = tpu.vector_load_idx %arg5[%add3A_14, %add3A_129] : memref<64x128xf32, #tpu.memory_space<vmem>>[vector<16xi32>, vector<16xi32>], vector<16xf32>,
          %gather3A_142 = tpu.vector_load_idx %arg5[%add3A_17, %add3A_129] : memref<64x128xf32, #tpu.memory_space<vmem>>[vector<16xi32>, vector<16xi32>], vector<16xf32>,
          %gather3A_143 = tpu.vector_load_idx %arg5[%add3A_20, %add3A_129] : memref<64x128xf32, #tpu.memory_space<vmem>>[vector<16xi32>, vector<16xi32>], vector<16xf32>,
          tpu.vector_store_idx %arg7[%add3A_132, %add3A_101], %gather3A_136 : memref<64x128xf32, #tpu.memory_space<vmem>>[vector<16xi32>, vector<16xi32>], vector<16xf32>,
          tpu.vector_store_idx %arg7[%add3A_132, %add3A_102], %gather3A_137 : memref<64x128xf32, #tpu.memory_space<vmem>>[vector<16xi32>, vector<16xi32>], vector<16xf32>,
          tpu.vector_store_idx %arg7[%add3A_132, %add3A_103], %gather3A_138 : memref<64x128xf32, #tpu.memory_space<vmem>>[vector<16xi32>, vector<16xi32>], vector<16xf32>,
          tpu.vector_store_idx %arg7[%add3A_132, %add3A_104], %gather3A_139 : memref<64x128xf32, #tpu.memory_space<vmem>>[vector<16xi32>, vector<16xi32>], vector<16xf32>,
          tpu.vector_store_idx %arg7[%add3A_135, %add3A_101], %gather3A_140 : memref<64x128xf32, #tpu.memory_space<vmem>>[vector<16xi32>, vector<16xi32>], vector<16xf32>,
          tpu.vector_store_idx %arg7[%add3A_135, %add3A_102], %gather3A_141 : memref<64x128xf32, #tpu.memory_space<vmem>>[vector<16xi32>, vector<16xi32>], vector<16xf32>,
          tpu.vector_store_idx %arg7[%add3A_135, %add3A_103], %gather3A_142 : memref<64x128xf32, #tpu.memory_space<vmem>>[vector<16xi32>, vector<16xi32>], vector<16xf32>,
          tpu.vector_store_idx %arg7[%add3A_135, %add3A_104], %gather3A_143 : memref<64x128xf32, #tpu.memory_space<vmem>>[vector<16xi32>, vector<16xi32>], vector<16xf32>,
          %add3A_144 = arith.constant 64 : i32
          %add3A_145 = vector.broadcast %add3A_144 : i32 to vector<16xi32>
          %add3A_146 = arith.addi %rem3A_93, %add3A_145 : vector<16xi32>
          %add3A_147 = arith.constant 80 : i32
          %add3A_148 = vector.broadcast %add3A_147 : i32 to vector<16xi32>
          %add3A_149 = arith.addi %rem3A_93, %add3A_148 : vector<16xi32>
          %add3A_150 = arith.constant 32 : i32
          %add3A_151 = vector.broadcast %add3A_150 : i32 to vector<16xi32>
          %add3A_152 = arith.addi %shift_right_logical3A_95, %add3A_151 : vector<16xi32>
          %add3A_153 = arith.constant 40 : i32
          %add3A_154 = vector.broadcast %add3A_153 : i32 to vector<16xi32>
          %add3A_155 = arith.addi %shift_right_logical3A_95, %add3A_154 : vector<16xi32>
          %gather3A_156 = tpu.vector_load_idx %arg5[%add3A_11, %add3A_146] : memref<64x128xf32, #tpu.memory_space<vmem>>[vector<16xi32>, vector<16xi32>], vector<16xf32>,
          %gather3A_157 = tpu.vector_load_idx %arg5[%add3A_14, %add3A_146] : memref<64x128xf32, #tpu.memory_space<vmem>>[vector<16xi32>, vector<16xi32>], vector<16xf32>,
          %gather3A_158 = tpu.vector_load_idx %arg5[%add3A_17, %add3A_146] : memref<64x128xf32, #tpu.memory_space<vmem>>[vector<16xi32>, vector<16xi32>], vector<16xf32>,
          %gather3A_159 = tpu.vector_load_idx %arg5[%add3A_20, %add3A_146] : memref<64x128xf32, #tpu.memory_space<vmem>>[vector<16xi32>, vector<16xi32>], vector<16xf32>,
          %gather3A_160 = tpu.vector_load_idx %arg5[%add3A_11, %add3A_149] : memref<64x128xf32, #tpu.memory_space<vmem>>[vector<16xi32>, vector<16xi32>], vector<16xf32>,
          %gather3A_161 = tpu.vector_load_idx %arg5[%add3A_14, %add3A_149] : memref<64x128xf32, #tpu.memory_space<vmem>>[vector<16xi32>, vector<16xi32>], vector<16xf32>,
          %gather3A_162 = tpu.vector_load_idx %arg5[%add3A_17, %add3A_149] : memref<64x128xf32, #tpu.memory_space<vmem>>[vector<16xi32>, vector<16xi32>], vector<16xf32>,
          %gather3A_163 = tpu.vector_load_idx %arg5[%add3A_20, %add3A_149] : memref<64x128xf32, #tpu.memory_space<vmem>>[vector<16xi32>, vector<16xi32>], vector<16xf32>,
          tpu.vector_store_idx %arg7[%add3A_152, %add3A_101], %gather3A_156 : memref<64x128xf32, #tpu.memory_space<vmem>>[vector<16xi32>, vector<16xi32>], vector<16xf32>,
          tpu.vector_store_idx %arg7[%add3A_152, %add3A_102], %gather3A_157 : memref<64x128xf32, #tpu.memory_space<vmem>>[vector<16xi32>, vector<16xi32>], vector<16xf32>,
          tpu.vector_store_idx %arg7[%add3A_152, %add3A_103], %gather3A_158 : memref<64x128xf32, #tpu.memory_space<vmem>>[vector<16xi32>, vector<16xi32>], vector<16xf32>,
          tpu.vector_store_idx %arg7[%add3A_152, %add3A_104], %gather3A_159 : memref<64x128xf32, #tpu.memory_space<vmem>>[vector<16xi32>, vector<16xi32>], vector<16xf32>,
          tpu.vector_store_idx %arg7[%add3A_155, %add3A_101], %gather3A_160 : memref<64x128xf32, #tpu.memory_space<vmem>>[vector<16xi32>, vector<16xi32>], vector<16xf32>,
          tpu.vector_store_idx %arg7[%add3A_155, %add3A_102], %gather3A_161 : memref<64x128xf32, #tpu.memory_space<vmem>>[vector<16xi32>, vector<16xi32>], vector<16xf32>,
          tpu.vector_store_idx %arg7[%add3A_155, %add3A_103], %gather3A_162 : memref<64x128xf32, #tpu.memory_space<vmem>>[vector<16xi32>, vector<16xi32>], vector<16xf32>,
          tpu.vector_store_idx %arg7[%add3A_155, %add3A_104], %gather3A_163 : memref<64x128xf32, #tpu.memory_space<vmem>>[vector<16xi32>, vector<16xi32>], vector<16xf32>,
          %add3A_164 = arith.constant 96 : i32
          %add3A_165 = vector.broadcast %add3A_164 : i32 to vector<16xi32>
          %add3A_166 = arith.addi %rem3A_93, %add3A_165 : vector<16xi32>
          %add3A_167 = arith.constant 112 : i32
          %add3A_168 = vector.broadcast %add3A_167 : i32 to vector<16xi32>
          %add3A_169 = arith.addi %rem3A_93, %add3A_168 : vector<16xi32>
          %add3A_170 = arith.constant 48 : i32
          %add3A_171 = vector.broadcast %add3A_170 : i32 to vector<16xi32>
          %add3A_172 = arith.addi %shift_right_logical3A_95, %add3A_171 : vector<16xi32>
          %add3A_173 = arith.constant 56 : i32
          %add3A_174 = vector.broadcast %add3A_173 : i32 to vector<16xi32>
          %add3A_175 = arith.addi %shift_right_logical3A_95, %add3A_174 : vector<16xi32>
          %gather3A_176 = tpu.vector_load_idx %arg5[%add3A_11, %add3A_166] : memref<64x128xf32, #tpu.memory_space<vmem>>[vector<16xi32>, vector<16xi32>], vector<16xf32>,
          %gather3A_177 = tpu.vector_load_idx %arg5[%add3A_14, %add3A_166] : memref<64x128xf32, #tpu.memory_space<vmem>>[vector<16xi32>, vector<16xi32>], vector<16xf32>,
          %gather3A_178 = tpu.vector_load_idx %arg5[%add3A_17, %add3A_166] : memref<64x128xf32, #tpu.memory_space<vmem>>[vector<16xi32>, vector<16xi32>], vector<16xf32>,
          %gather3A_179 = tpu.vector_load_idx %arg5[%add3A_20, %add3A_166] : memref<64x128xf32, #tpu.memory_space<vmem>>[vector<16xi32>, vector<16xi32>], vector<16xf32>,
          %gather3A_180 = tpu.vector_load_idx %arg5[%add3A_11, %add3A_169] : memref<64x128xf32, #tpu.memory_space<vmem>>[vector<16xi32>, vector<16xi32>], vector<16xf32>,
          %gather3A_181 = tpu.vector_load_idx %arg5[%add3A_14, %add3A_169] : memref<64x128xf32, #tpu.memory_space<vmem>>[vector<16xi32>, vector<16xi32>], vector<16xf32>,
          %gather3A_182 = tpu.vector_load_idx %arg5[%add3A_17, %add3A_169] : memref<64x128xf32, #tpu.memory_space<vmem>>[vector<16xi32>, vector<16xi32>], vector<16xf32>,
          %gather3A_183 = tpu.vector_load_idx %arg5[%add3A_20, %add3A_169] : memref<64x128xf32, #tpu.memory_space<vmem>>[vector<16xi32>, vector<16xi32>], vector<16xf32>,
          tpu.vector_store_idx %arg7[%add3A_172, %add3A_101], %gather3A_176 : memref<64x128xf32, #tpu.memory_space<vmem>>[vector<16xi32>, vector<16xi32>], vector<16xf32>,
          tpu.vector_store_idx %arg7[%add3A_172, %add3A_102], %gather3A_177 : memref<64x128xf32, #tpu.memory_space<vmem>>[vector<16xi32>, vector<16xi32>], vector<16xf32>,
          tpu.vector_store_idx %arg7[%add3A_172, %add3A_103], %gather3A_178 : memref<64x128xf32, #tpu.memory_space<vmem>>[vector<16xi32>, vector<16xi32>], vector<16xf32>,
          tpu.vector_store_idx %arg7[%add3A_172, %add3A_104], %gather3A_179 : memref<64x128xf32, #tpu.memory_space<vmem>>[vector<16xi32>, vector<16xi32>], vector<16xf32>,
          tpu.vector_store_idx %arg7[%add3A_175, %add3A_101], %gather3A_180 : memref<64x128xf32, #tpu.memory_space<vmem>>[vector<16xi32>, vector<16xi32>], vector<16xf32>,
          tpu.vector_store_idx %arg7[%add3A_175, %add3A_102], %gather3A_181 : memref<64x128xf32, #tpu.memory_space<vmem>>[vector<16xi32>, vector<16xi32>], vector<16xf32>,
          tpu.vector_store_idx %arg7[%add3A_175, %add3A_103], %gather3A_182 : memref<64x128xf32, #tpu.memory_space<vmem>>[vector<16xi32>, vector<16xi32>], vector<16xf32>,
          tpu.vector_store_idx %arg7[%add3A_175, %add3A_104], %gather3A_183 : memref<64x128xf32, #tpu.memory_space<vmem>>[vector<16xi32>, vector<16xi32>], vector<16xf32>,
        }
        %scan3A_81 = arith.constant 16 : i32
        %add3A_82 = arith.addi %add3A_4, %add3A_46 : i32
        %mul3A_83 = arith.constant 64 : i32
        %mul3A_84 = arith.muli %add3A_82, %mul3A_83 : i32
        %dma_start3A_85 = arith.constant 0 : i32
        %dma_start3A_86 = tpu.memref_slice %arg4[%mul3A_84, %dma_start3A_85] : memref<50000x128xf32, #tpu.memory_space<hbm>> -> memref<64x128xf32, #tpu.memory_space<hbm>>
        %dma_start3A_87 = arith.constant 0 : i32
        %dma_start3A_88 = tpu.memref_slice %arg4[%mul3A_84, %dma_start3A_87] : memref<50000x128xf32, #tpu.memory_space<hbm>> -> memref<64x128xf32, #tpu.memory_space<hbm>>
        tpu.enqueue_dma source(%arg7 : memref<64x128xf32, #tpu.memory_space<vmem>>) target(%dma_start3A_88 : memref<64x128xf32, #tpu.memory_space<hbm>>) target_semaphore(%arg11 : memref<!tpu.dma_semaphore, #tpu.memory_space<semaphore_mem>>)
      } else {
      }
      %mul3A_51 = arith.constant 2 : i32
      %mul3A_52 = arith.muli %mul3A_51, %scan3A_42 : i32
      %add3A_53 = arith.constant 1 : i32
      %add3A_54 = arith.addi %mul3A_52, %add3A_53 : i32
      %lt3A_55 = arith.cmpi slt, %add3A_54, %add3A_8 : i32
      %convert_element_type3A_56 = arith.extui %lt3A_55 : i1 to i32
      %cond3A_57 = arith.constant 0 : i32
      %cond3A_58 = arith.cmpi ne, %convert_element_type3A_56, %cond3A_57 : i32
      scf.if %cond3A_58 {
        %add3A_59 = arith.addi %add3A_4, %add3A_54 : i32
        %mul3A_60 = arith.constant 128 : i32
        %mul3A_61 = arith.muli %add3A_59, %mul3A_60 : i32
        %dma_wait3A = arith.constant 0 : i32
        %dma_wait3A_62 = tpu.memref_slice %arg2[%dma_wait3A, %mul3A_61] : memref<64x100000xf32, #tpu.memory_space<hbm>> -> memref<64x128xf32, #tpu.memory_space<hbm>>
        %dma_wait3A_63 = arith.constant 0 : i32
        %dma_wait3A_64 = tpu.memref_slice %arg2[%dma_wait3A_63, %mul3A_61] : memref<64x100000xf32, #tpu.memory_space<hbm>> -> memref<64x128xf32, #tpu.memory_space<hbm>>
        tpu.wait_dma2 semaphore(%arg10 : memref<!tpu.dma_semaphore, #tpu.memory_space<semaphore_mem>>) src(%dma_wait3A_64 : memref<64x128xf32, #tpu.memory_space<hbm>>) dst(%arg6 : memref<64x128xf32, #tpu.memory_space<vmem>>)
        %add3A_65 = arith.constant 1 : i32
        %add3A_66 = arith.addi %add3A_54, %add3A_65 : i32
        %lt3A_67 = arith.cmpi slt, %add3A_66, %add3A_8 : i32
        %convert_element_type3A_68 = arith.extui %lt3A_67 : i1 to i32
        %cond3A_69 = arith.constant 0 : i32
        %cond3A_70 = arith.cmpi ne, %convert_element_type3A_68, %cond3A_69 : i32
        scf.if %cond3A_70 {
          %add3A_89 = arith.addi %add3A_4, %add3A_66 : i32
          %mul3A_90 = arith.constant 128 : i32
          %mul3A_91 = arith.muli %add3A_89, %mul3A_90 : i32
          %dma_start3A_92 = arith.constant 0 : i32
          %dma_start3A_93 = tpu.memref_slice %arg2[%dma_start3A_92, %mul3A_91] : memref<64x100000xf32, #tpu.memory_space<hbm>> -> memref<64x128xf32, #tpu.memory_space<hbm>>
          %dma_start3A_94 = arith.constant 0 : i32
          %dma_start3A_95 = tpu.memref_slice %arg2[%dma_start3A_94, %mul3A_91] : memref<64x100000xf32, #tpu.memory_space<hbm>> -> memref<64x128xf32, #tpu.memory_space<hbm>>
          tpu.enqueue_dma source(%dma_start3A_95 : memref<64x128xf32, #tpu.memory_space<hbm>>) target(%arg5 : memref<64x128xf32, #tpu.memory_space<vmem>>) target_semaphore(%arg9 : memref<!tpu.dma_semaphore, #tpu.memory_space<semaphore_mem>>)
        } else {
        }
        %ge3A_71 = arith.constant 2 : i32
        %ge3A_72 = arith.cmpi sge, %add3A_54, %ge3A_71 : i32
        %convert_element_type3A_73 = arith.extui %ge3A_72 : i1 to i32
        %cond3A_74 = arith.constant 0 : i32
        %cond3A_75 = arith.cmpi ne, %convert_element_type3A_73, %cond3A_74 : i32
        scf.if %cond3A_75 {
          %add3A_89 = arith.addi %add3A_4, %add3A_54 : i32
          %sub3A = arith.constant 2 : i32
          %sub3A_90 = arith.subi %add3A_89, %sub3A : i32
          %mul3A_91 = arith.constant 64 : i32
          %mul3A_92 = arith.muli %sub3A_90, %mul3A_91 : i32
          %dma_wait3A_93 = arith.constant 0 : i32
          %dma_wait3A_94 = tpu.memref_slice %arg4[%mul3A_92, %dma_wait3A_93] : memref<50000x128xf32, #tpu.memory_space<hbm>> -> memref<64x128xf32, #tpu.memory_space<hbm>>
          %dma_wait3A_95 = arith.constant 0 : i32
          %dma_wait3A_96 = tpu.memref_slice %arg4[%mul3A_92, %dma_wait3A_95] : memref<50000x128xf32, #tpu.memory_space<hbm>> -> memref<64x128xf32, #tpu.memory_space<hbm>>
          tpu.wait_dma2 semaphore(%arg12 : memref<!tpu.dma_semaphore, #tpu.memory_space<semaphore_mem>>) src(%arg8 : memref<64x128xf32, #tpu.memory_space<vmem>>) dst(%dma_wait3A_96 : memref<64x128xf32, #tpu.memory_space<hbm>>)
        } else {
        }
        %scan3A_76 = arith.constant 0 : i32
        %scan3A_77 = arith.constant 0 : i32
        %scan3A_78 = arith.constant 16 : i32
        %scan3A_79 = arith.addi %scan3A_77, %scan3A_78 : i32
        %scan3A_80 = arith.constant 1 : i32
        scf.for %scan3A_89 = %scan3A_77 to %scan3A_79 step %scan3A_80  : i32 {
          %add3A_90 = vector.broadcast %scan3A_89 : i32 to vector<16xi32>
          %add3A_91 = arith.addi %iota3A, %add3A_90 : vector<16xi32>
          %rem3A = arith.constant 16 : i32
          %rem3A_92 = vector.broadcast %rem3A : i32 to vector<16xi32>
          %rem3A_93 = arith.remsi %add3A_91, %rem3A_92 : vector<16xi32>
          %shift_right_logical3A = arith.constant 1 : i32
          %shift_right_logical3A_94 = vector.broadcast %shift_right_logical3A : i32 to vector<16xi32>
          %shift_right_logical3A_95 = arith.shrui %rem3A_93, %shift_right_logical3A_94 : vector<16xi32>
          %rem3A_96 = arith.constant 2 : i32
          %rem3A_97 = vector.broadcast %rem3A_96 : i32 to vector<16xi32>
          %rem3A_98 = arith.remsi %rem3A_93, %rem3A_97 : vector<16xi32>
          %shift_left3A = arith.constant 6 : i32
          %shift_left3A_99 = vector.broadcast %shift_left3A : i32 to vector<16xi32>
          %shift_left3A_100 = arith.shli %rem3A_98, %shift_left3A_99 : vector<16xi32>
          %add3A_101 = arith.addi %shift_left3A_100, %add3A_11 : vector<16xi32>
          %add3A_102 = arith.addi %shift_left3A_100, %add3A_14 : vector<16xi32>
          %add3A_103 = arith.addi %shift_left3A_100, %add3A_17 : vector<16xi32>
          %add3A_104 = arith.addi %shift_left3A_100, %add3A_20 : vector<16xi32>
          %add3A_105 = arith.constant 0 : i32
          %add3A_106 = vector.broadcast %add3A_105 : i32 to vector<16xi32>
          %add3A_107 = arith.addi %rem3A_93, %add3A_106 : vector<16xi32>
          %add3A_108 = arith.constant 16 : i32
          %add3A_109 = vector.broadcast %add3A_108 : i32 to vector<16xi32>
          %add3A_110 = arith.addi %rem3A_93, %add3A_109 : vector<16xi32>
          %add3A_111 = arith.constant 0 : i32
          %add3A_112 = vector.broadcast %add3A_111 : i32 to vector<16xi32>
          %add3A_113 = arith.addi %shift_right_logical3A_95, %add3A_112 : vector<16xi32>
          %add3A_114 = arith.constant 8 : i32
          %add3A_115 = vector.broadcast %add3A_114 : i32 to vector<16xi32>
          %add3A_116 = arith.addi %shift_right_logical3A_95, %add3A_115 : vector<16xi32>
          %gather3A = tpu.vector_load_idx %arg6[%add3A_11, %add3A_107] : memref<64x128xf32, #tpu.memory_space<vmem>>[vector<16xi32>, vector<16xi32>], vector<16xf32>,
          %gather3A_117 = tpu.vector_load_idx %arg6[%add3A_14, %add3A_107] : memref<64x128xf32, #tpu.memory_space<vmem>>[vector<16xi32>, vector<16xi32>], vector<16xf32>,
          %gather3A_118 = tpu.vector_load_idx %arg6[%add3A_17, %add3A_107] : memref<64x128xf32, #tpu.memory_space<vmem>>[vector<16xi32>, vector<16xi32>], vector<16xf32>,
          %gather3A_119 = tpu.vector_load_idx %arg6[%add3A_20, %add3A_107] : memref<64x128xf32, #tpu.memory_space<vmem>>[vector<16xi32>, vector<16xi32>], vector<16xf32>,
          %gather3A_120 = tpu.vector_load_idx %arg6[%add3A_11, %add3A_110] : memref<64x128xf32, #tpu.memory_space<vmem>>[vector<16xi32>, vector<16xi32>], vector<16xf32>,
          %gather3A_121 = tpu.vector_load_idx %arg6[%add3A_14, %add3A_110] : memref<64x128xf32, #tpu.memory_space<vmem>>[vector<16xi32>, vector<16xi32>], vector<16xf32>,
          %gather3A_122 = tpu.vector_load_idx %arg6[%add3A_17, %add3A_110] : memref<64x128xf32, #tpu.memory_space<vmem>>[vector<16xi32>, vector<16xi32>], vector<16xf32>,
          %gather3A_123 = tpu.vector_load_idx %arg6[%add3A_20, %add3A_110] : memref<64x128xf32, #tpu.memory_space<vmem>>[vector<16xi32>, vector<16xi32>], vector<16xf32>,
          tpu.vector_store_idx %arg8[%add3A_113, %add3A_101], %gather3A : memref<64x128xf32, #tpu.memory_space<vmem>>[vector<16xi32>, vector<16xi32>], vector<16xf32>,
          tpu.vector_store_idx %arg8[%add3A_113, %add3A_102], %gather3A_117 : memref<64x128xf32, #tpu.memory_space<vmem>>[vector<16xi32>, vector<16xi32>], vector<16xf32>,
          tpu.vector_store_idx %arg8[%add3A_113, %add3A_103], %gather3A_118 : memref<64x128xf32, #tpu.memory_space<vmem>>[vector<16xi32>, vector<16xi32>], vector<16xf32>,
          tpu.vector_store_idx %arg8[%add3A_113, %add3A_104], %gather3A_119 : memref<64x128xf32, #tpu.memory_space<vmem>>[vector<16xi32>, vector<16xi32>], vector<16xf32>,
          tpu.vector_store_idx %arg8[%add3A_116, %add3A_101], %gather3A_120 : memref<64x128xf32, #tpu.memory_space<vmem>>[vector<16xi32>, vector<16xi32>], vector<16xf32>,
          tpu.vector_store_idx %arg8[%add3A_116, %add3A_102], %gather3A_121 : memref<64x128xf32, #tpu.memory_space<vmem>>[vector<16xi32>, vector<16xi32>], vector<16xf32>,
          tpu.vector_store_idx %arg8[%add3A_116, %add3A_103], %gather3A_122 : memref<64x128xf32, #tpu.memory_space<vmem>>[vector<16xi32>, vector<16xi32>], vector<16xf32>,
          tpu.vector_store_idx %arg8[%add3A_116, %add3A_104], %gather3A_123 : memref<64x128xf32, #tpu.memory_space<vmem>>[vector<16xi32>, vector<16xi32>], vector<16xf32>,
          %add3A_124 = arith.constant 32 : i32
          %add3A_125 = vector.broadcast %add3A_124 : i32 to vector<16xi32>
          %add3A_126 = arith.addi %rem3A_93, %add3A_125 : vector<16xi32>
          %add3A_127 = arith.constant 48 : i32
          %add3A_128 = vector.broadcast %add3A_127 : i32 to vector<16xi32>
          %add3A_129 = arith.addi %rem3A_93, %add3A_128 : vector<16xi32>
          %add3A_130 = arith.constant 16 : i32
          %add3A_131 = vector.broadcast %add3A_130 : i32 to vector<16xi32>
          %add3A_132 = arith.addi %shift_right_logical3A_95, %add3A_131 : vector<16xi32>
          %add3A_133 = arith.constant 24 : i32
          %add3A_134 = vector.broadcast %add3A_133 : i32 to vector<16xi32>
          %add3A_135 = arith.addi %shift_right_logical3A_95, %add3A_134 : vector<16xi32>
          %gather3A_136 = tpu.vector_load_idx %arg6[%add3A_11, %add3A_126] : memref<64x128xf32, #tpu.memory_space<vmem>>[vector<16xi32>, vector<16xi32>], vector<16xf32>,
          %gather3A_137 = tpu.vector_load_idx %arg6[%add3A_14, %add3A_126] : memref<64x128xf32, #tpu.memory_space<vmem>>[vector<16xi32>, vector<16xi32>], vector<16xf32>,
          %gather3A_138 = tpu.vector_load_idx %arg6[%add3A_17, %add3A_126] : memref<64x128xf32, #tpu.memory_space<vmem>>[vector<16xi32>, vector<16xi32>], vector<16xf32>,
          %gather3A_139 = tpu.vector_load_idx %arg6[%add3A_20, %add3A_126] : memref<64x128xf32, #tpu.memory_space<vmem>>[vector<16xi32>, vector<16xi32>], vector<16xf32>,
          %gather3A_140 = tpu.vector_load_idx %arg6[%add3A_11, %add3A_129] : memref<64x128xf32, #tpu.memory_space<vmem>>[vector<16xi32>, vector<16xi32>], vector<16xf32>,
          %gather3A_141 = tpu.vector_load_idx %arg6[%add3A_14, %add3A_129] : memref<64x128xf32, #tpu.memory_space<vmem>>[vector<16xi32>, vector<16xi32>], vector<16xf32>,
          %gather3A_142 = tpu.vector_load_idx %arg6[%add3A_17, %add3A_129] : memref<64x128xf32, #tpu.memory_space<vmem>>[vector<16xi32>, vector<16xi32>], vector<16xf32>,
          %gather3A_143 = tpu.vector_load_idx %arg6[%add3A_20, %add3A_129] : memref<64x128xf32, #tpu.memory_space<vmem>>[vector<16xi32>, vector<16xi32>], vector<16xf32>,
          tpu.vector_store_idx %arg8[%add3A_132, %add3A_101], %gather3A_136 : memref<64x128xf32, #tpu.memory_space<vmem>>[vector<16xi32>, vector<16xi32>], vector<16xf32>,
          tpu.vector_store_idx %arg8[%add3A_132, %add3A_102], %gather3A_137 : memref<64x128xf32, #tpu.memory_space<vmem>>[vector<16xi32>, vector<16xi32>], vector<16xf32>,
          tpu.vector_store_idx %arg8[%add3A_132, %add3A_103], %gather3A_138 : memref<64x128xf32, #tpu.memory_space<vmem>>[vector<16xi32>, vector<16xi32>], vector<16xf32>,
          tpu.vector_store_idx %arg8[%add3A_132, %add3A_104], %gather3A_139 : memref<64x128xf32, #tpu.memory_space<vmem>>[vector<16xi32>, vector<16xi32>], vector<16xf32>,
          tpu.vector_store_idx %arg8[%add3A_135, %add3A_101], %gather3A_140 : memref<64x128xf32, #tpu.memory_space<vmem>>[vector<16xi32>, vector<16xi32>], vector<16xf32>,
          tpu.vector_store_idx %arg8[%add3A_135, %add3A_102], %gather3A_141 : memref<64x128xf32, #tpu.memory_space<vmem>>[vector<16xi32>, vector<16xi32>], vector<16xf32>,
          tpu.vector_store_idx %arg8[%add3A_135, %add3A_103], %gather3A_142 : memref<64x128xf32, #tpu.memory_space<vmem>>[vector<16xi32>, vector<16xi32>], vector<16xf32>,
          tpu.vector_store_idx %arg8[%add3A_135, %add3A_104], %gather3A_143 : memref<64x128xf32, #tpu.memory_space<vmem>>[vector<16xi32>, vector<16xi32>], vector<16xf32>,
          %add3A_144 = arith.constant 64 : i32
          %add3A_145 = vector.broadcast %add3A_144 : i32 to vector<16xi32>
          %add3A_146 = arith.addi %rem3A_93, %add3A_145 : vector<16xi32>
          %add3A_147 = arith.constant 80 : i32
          %add3A_148 = vector.broadcast %add3A_147 : i32 to vector<16xi32>
          %add3A_149 = arith.addi %rem3A_93, %add3A_148 : vector<16xi32>
          %add3A_150 = arith.constant 32 : i32
          %add3A_151 = vector.broadcast %add3A_150 : i32 to vector<16xi32>
          %add3A_152 = arith.addi %shift_right_logical3A_95, %add3A_151 : vector<16xi32>
          %add3A_153 = arith.constant 40 : i32
          %add3A_154 = vector.broadcast %add3A_153 : i32 to vector<16xi32>
          %add3A_155 = arith.addi %shift_right_logical3A_95, %add3A_154 : vector<16xi32>
          %gather3A_156 = tpu.vector_load_idx %arg6[%add3A_11, %add3A_146] : memref<64x128xf32, #tpu.memory_space<vmem>>[vector<16xi32>, vector<16xi32>], vector<16xf32>,
          %gather3A_157 = tpu.vector_load_idx %arg6[%add3A_14, %add3A_146] : memref<64x128xf32, #tpu.memory_space<vmem>>[vector<16xi32>, vector<16xi32>], vector<16xf32>,
          %gather3A_158 = tpu.vector_load_idx %arg6[%add3A_17, %add3A_146] : memref<64x128xf32, #tpu.memory_space<vmem>>[vector<16xi32>, vector<16xi32>], vector<16xf32>,
          %gather3A_159 = tpu.vector_load_idx %arg6[%add3A_20, %add3A_146] : memref<64x128xf32, #tpu.memory_space<vmem>>[vector<16xi32>, vector<16xi32>], vector<16xf32>,
          %gather3A_160 = tpu.vector_load_idx %arg6[%add3A_11, %add3A_149] : memref<64x128xf32, #tpu.memory_space<vmem>>[vector<16xi32>, vector<16xi32>], vector<16xf32>,
          %gather3A_161 = tpu.vector_load_idx %arg6[%add3A_14, %add3A_149] : memref<64x128xf32, #tpu.memory_space<vmem>>[vector<16xi32>, vector<16xi32>], vector<16xf32>,
          %gather3A_162 = tpu.vector_load_idx %arg6[%add3A_17, %add3A_149] : memref<64x128xf32, #tpu.memory_space<vmem>>[vector<16xi32>, vector<16xi32>], vector<16xf32>,
          %gather3A_163 = tpu.vector_load_idx %arg6[%add3A_20, %add3A_149] : memref<64x128xf32, #tpu.memory_space<vmem>>[vector<16xi32>, vector<16xi32>], vector<16xf32>,
          tpu.vector_store_idx %arg8[%add3A_152, %add3A_101], %gather3A_156 : memref<64x128xf32, #tpu.memory_space<vmem>>[vector<16xi32>, vector<16xi32>], vector<16xf32>,
          tpu.vector_store_idx %arg8[%add3A_152, %add3A_102], %gather3A_157 : memref<64x128xf32, #tpu.memory_space<vmem>>[vector<16xi32>, vector<16xi32>], vector<16xf32>,
          tpu.vector_store_idx %arg8[%add3A_152, %add3A_103], %gather3A_158 : memref<64x128xf32, #tpu.memory_space<vmem>>[vector<16xi32>, vector<16xi32>], vector<16xf32>,
          tpu.vector_store_idx %arg8[%add3A_152, %add3A_104], %gather3A_159 : memref<64x128xf32, #tpu.memory_space<vmem>>[vector<16xi32>, vector<16xi32>], vector<16xf32>,
          tpu.vector_store_idx %arg8[%add3A_155, %add3A_101], %gather3A_160 : memref<64x128xf32, #tpu.memory_space<vmem>>[vector<16xi32>, vector<16xi32>], vector<16xf32>,
          tpu.vector_store_idx %arg8[%add3A_155, %add3A_102], %gather3A_161 : memref<64x128xf32, #tpu.memory_space<vmem>>[vector<16xi32>, vector<16xi32>], vector<16xf32>,
          tpu.vector_store_idx %arg8[%add3A_155, %add3A_103], %gather3A_162 : memref<64x128xf32, #tpu.memory_space<vmem>>[vector<16xi32>, vector<16xi32>], vector<16xf32>,
          tpu.vector_store_idx %arg8[%add3A_155, %add3A_104], %gather3A_163 : memref<64x128xf32, #tpu.memory_space<vmem>>[vector<16xi32>, vector<16xi32>], vector<16xf32>,
          %add3A_164 = arith.constant 96 : i32
          %add3A_165 = vector.broadcast %add3A_164 : i32 to vector<16xi32>
          %add3A_166 = arith.addi %rem3A_93, %add3A_165 : vector<16xi32>
          %add3A_167 = arith.constant 112 : i32
          %add3A_168 = vector.broadcast %add3A_167 : i32 to vector<16xi32>
          %add3A_169 = arith.addi %rem3A_93, %add3A_168 : vector<16xi32>
          %add3A_170 = arith.constant 48 : i32
          %add3A_171 = vector.broadcast %add3A_170 : i32 to vector<16xi32>
          %add3A_172 = arith.addi %shift_right_logical3A_95, %add3A_171 : vector<16xi32>
          %add3A_173 = arith.constant 56 : i32
          %add3A_174 = vector.broadcast %add3A_173 : i32 to vector<16xi32>
          %add3A_175 = arith.addi %shift_right_logical3A_95, %add3A_174 : vector<16xi32>
          %gather3A_176 = tpu.vector_load_idx %arg6[%add3A_11, %add3A_166] : memref<64x128xf32, #tpu.memory_space<vmem>>[vector<16xi32>, vector<16xi32>], vector<16xf32>,
          %gather3A_177 = tpu.vector_load_idx %arg6[%add3A_14, %add3A_166] : memref<64x128xf32, #tpu.memory_space<vmem>>[vector<16xi32>, vector<16xi32>], vector<16xf32>,
          %gather3A_178 = tpu.vector_load_idx %arg6[%add3A_17, %add3A_166] : memref<64x128xf32, #tpu.memory_space<vmem>>[vector<16xi32>, vector<16xi32>], vector<16xf32>,
          %gather3A_179 = tpu.vector_load_idx %arg6[%add3A_20, %add3A_166] : memref<64x128xf32, #tpu.memory_space<vmem>>[vector<16xi32>, vector<16xi32>], vector<16xf32>,
          %gather3A_180 = tpu.vector_load_idx %arg6[%add3A_11, %add3A_169] : memref<64x128xf32, #tpu.memory_space<vmem>>[vector<16xi32>, vector<16xi32>], vector<16xf32>,
          %gather3A_181 = tpu.vector_load_idx %arg6[%add3A_14, %add3A_169] : memref<64x128xf32, #tpu.memory_space<vmem>>[vector<16xi32>, vector<16xi32>], vector<16xf32>,
          %gather3A_182 = tpu.vector_load_idx %arg6[%add3A_17, %add3A_169] : memref<64x128xf32, #tpu.memory_space<vmem>>[vector<16xi32>, vector<16xi32>], vector<16xf32>,
          %gather3A_183 = tpu.vector_load_idx %arg6[%add3A_20, %add3A_169] : memref<64x128xf32, #tpu.memory_space<vmem>>[vector<16xi32>, vector<16xi32>], vector<16xf32>,
          tpu.vector_store_idx %arg8[%add3A_172, %add3A_101], %gather3A_176 : memref<64x128xf32, #tpu.memory_space<vmem>>[vector<16xi32>, vector<16xi32>], vector<16xf32>,
          tpu.vector_store_idx %arg8[%add3A_172, %add3A_102], %gather3A_177 : memref<64x128xf32, #tpu.memory_space<vmem>>[vector<16xi32>, vector<16xi32>], vector<16xf32>,
          tpu.vector_store_idx %arg8[%add3A_172, %add3A_103], %gather3A_178 : memref<64x128xf32, #tpu.memory_space<vmem>>[vector<16xi32>, vector<16xi32>], vector<16xf32>,
          tpu.vector_store_idx %arg8[%add3A_172, %add3A_104], %gather3A_179 : memref<64x128xf32, #tpu.memory_space<vmem>>[vector<16xi32>, vector<16xi32>], vector<16xf32>,
          tpu.vector_store_idx %arg8[%add3A_175, %add3A_101], %gather3A_180 : memref<64x128xf32, #tpu.memory_space<vmem>>[vector<16xi32>, vector<16xi32>], vector<16xf32>,
          tpu.vector_store_idx %arg8[%add3A_175, %add3A_102], %gather3A_181 : memref<64x128xf32, #tpu.memory_space<vmem>>[vector<16xi32>, vector<16xi32>], vector<16xf32>,
          tpu.vector_store_idx %arg8[%add3A_175, %add3A_103], %gather3A_182 : memref<64x128xf32, #tpu.memory_space<vmem>>[vector<16xi32>, vector<16xi32>], vector<16xf32>,
          tpu.vector_store_idx %arg8[%add3A_175, %add3A_104], %gather3A_183 : memref<64x128xf32, #tpu.memory_space<vmem>>[vector<16xi32>, vector<16xi32>], vector<16xf32>,
        }
        %scan3A_81 = arith.constant 16 : i32
        %add3A_82 = arith.addi %add3A_4, %add3A_54 : i32
        %mul3A_83 = arith.constant 64 : i32
        %mul3A_84 = arith.muli %add3A_82, %mul3A_83 : i32
        %dma_start3A_85 = arith.constant 0 : i32
        %dma_start3A_86 = tpu.memref_slice %arg4[%mul3A_84, %dma_start3A_85] : memref<50000x128xf32, #tpu.memory_space<hbm>> -> memref<64x128xf32, #tpu.memory_space<hbm>>
        %dma_start3A_87 = arith.constant 0 : i32
        %dma_start3A_88 = tpu.memref_slice %arg4[%mul3A_84, %dma_start3A_87] : memref<50000x128xf32, #tpu.memory_space<hbm>> -> memref<64x128xf32, #tpu.memory_space<hbm>>
        tpu.enqueue_dma source(%arg8 : memref<64x128xf32, #tpu.memory_space<vmem>>) target(%dma_start3A_88 : memref<64x128xf32, #tpu.memory_space<hbm>>) target_semaphore(%arg12 : memref<!tpu.dma_semaphore, #tpu.memory_space<semaphore_mem>>)
      } else {
      }
    }
    %scan3A_30 = arith.constant 13 : i32
    %lt3A_31 = arith.constant 13 : i32
    %lt3A_32 = arith.cmpi slt, %add3A, %lt3A_31 : i32
    %convert_element_type3A = arith.extui %lt3A_32 : i1 to i32
    %cond3A = arith.constant 0 : i32
    %cond3A_33 = arith.cmpi ne, %convert_element_type3A, %cond3A : i32
    scf.if %cond3A_33 {
      %add3A_42 = arith.constant 25 : i32
      %add3A_43 = arith.addi %add3A_4, %add3A_42 : i32
      %sub3A = arith.constant 2 : i32
      %sub3A_44 = arith.subi %add3A_43, %sub3A : i32
      %mul3A_45 = arith.constant 64 : i32
      %mul3A_46 = arith.muli %sub3A_44, %mul3A_45 : i32
      %dma_wait3A = arith.constant 0 : i32
      %dma_wait3A_47 = tpu.memref_slice %arg4[%mul3A_46, %dma_wait3A] : memref<50000x128xf32, #tpu.memory_space<hbm>> -> memref<64x128xf32, #tpu.memory_space<hbm>>
      %dma_wait3A_48 = arith.constant 0 : i32
      %dma_wait3A_49 = tpu.memref_slice %arg4[%mul3A_46, %dma_wait3A_48] : memref<50000x128xf32, #tpu.memory_space<hbm>> -> memref<64x128xf32, #tpu.memory_space<hbm>>
      tpu.wait_dma2 semaphore(%arg12 : memref<!tpu.dma_semaphore, #tpu.memory_space<semaphore_mem>>) src(%arg8 : memref<64x128xf32, #tpu.memory_space<vmem>>) dst(%dma_wait3A_49 : memref<64x128xf32, #tpu.memory_space<hbm>>)
      %add3A_50 = arith.constant 25 : i32
      %add3A_51 = arith.addi %add3A_4, %add3A_50 : i32
      %sub3A_52 = arith.constant 1 : i32
      %sub3A_53 = arith.subi %add3A_51, %sub3A_52 : i32
      %mul3A_54 = arith.constant 64 : i32
      %mul3A_55 = arith.muli %sub3A_53, %mul3A_54 : i32
      %dma_wait3A_56 = arith.constant 0 : i32
      %dma_wait3A_57 = tpu.memref_slice %arg4[%mul3A_55, %dma_wait3A_56] : memref<50000x128xf32, #tpu.memory_space<hbm>> -> memref<64x128xf32, #tpu.memory_space<hbm>>
      %dma_wait3A_58 = arith.constant 0 : i32
      %dma_wait3A_59 = tpu.memref_slice %arg4[%mul3A_55, %dma_wait3A_58] : memref<50000x128xf32, #tpu.memory_space<hbm>> -> memref<64x128xf32, #tpu.memory_space<hbm>>
      tpu.wait_dma2 semaphore(%arg11 : memref<!tpu.dma_semaphore, #tpu.memory_space<semaphore_mem>>) src(%arg7 : memref<64x128xf32, #tpu.memory_space<vmem>>) dst(%dma_wait3A_59 : memref<64x128xf32, #tpu.memory_space<hbm>>)
    } else {
    }
    %ge3A = arith.constant 13 : i32
    %ge3A_34 = arith.cmpi sge, %add3A, %ge3A : i32
    %convert_element_type3A_35 = arith.extui %ge3A_34 : i1 to i32
    %cond3A_36 = arith.constant 0 : i32
    %cond3A_37 = arith.cmpi ne, %convert_element_type3A_35, %cond3A_36 : i32
    scf.if %cond3A_37 {
      %add3A_42 = arith.constant 24 : i32
      %add3A_43 = arith.addi %add3A_4, %add3A_42 : i32
      %sub3A = arith.constant 2 : i32
      %sub3A_44 = arith.subi %add3A_43, %sub3A : i32
      %mul3A_45 = arith.constant 64 : i32
      %mul3A_46 = arith.muli %sub3A_44, %mul3A_45 : i32
      %dma_wait3A = arith.constant 0 : i32
      %dma_wait3A_47 = tpu.memref_slice %arg4[%mul3A_46, %dma_wait3A] : memref<50000x128xf32, #tpu.memory_space<hbm>> -> memref<64x128xf32, #tpu.memory_space<hbm>>
      %dma_wait3A_48 = arith.constant 0 : i32
      %dma_wait3A_49 = tpu.memref_slice %arg4[%mul3A_46, %dma_wait3A_48] : memref<50000x128xf32, #tpu.memory_space<hbm>> -> memref<64x128xf32, #tpu.memory_space<hbm>>
      tpu.wait_dma2 semaphore(%arg11 : memref<!tpu.dma_semaphore, #tpu.memory_space<semaphore_mem>>) src(%arg7 : memref<64x128xf32, #tpu.memory_space<vmem>>) dst(%dma_wait3A_49 : memref<64x128xf32, #tpu.memory_space<hbm>>)
      %add3A_50 = arith.constant 24 : i32
      %add3A_51 = arith.addi %add3A_4, %add3A_50 : i32
      %sub3A_52 = arith.constant 1 : i32
      %sub3A_53 = arith.subi %add3A_51, %sub3A_52 : i32
      %mul3A_54 = arith.constant 64 : i32
      %mul3A_55 = arith.muli %sub3A_53, %mul3A_54 : i32
      %dma_wait3A_56 = arith.constant 0 : i32
      %dma_wait3A_57 = tpu.memref_slice %arg4[%mul3A_55, %dma_wait3A_56] : memref<50000x128xf32, #tpu.memory_space<hbm>> -> memref<64x128xf32, #tpu.memory_space<hbm>>
      %dma_wait3A_58 = arith.constant 0 : i32
      %dma_wait3A_59 = tpu.memref_slice %arg4[%mul3A_55, %dma_wait3A_58] : memref<50000x128xf32, #tpu.memory_space<hbm>> -> memref<64x128xf32, #tpu.memory_space<hbm>>
      tpu.wait_dma2 semaphore(%arg12 : memref<!tpu.dma_semaphore, #tpu.memory_space<semaphore_mem>>) src(%arg8 : memref<64x128xf32, #tpu.memory_space<vmem>>) dst(%dma_wait3A_59 : memref<64x128xf32, #tpu.memory_space<hbm>>)
    } else {
    }
    %eq3A = arith.constant 31 : i32
    %eq3A_38 = arith.cmpi eq, %add3A, %eq3A : i32
    %convert_element_type3A_39 = arith.extui %eq3A_38 : i1 to i32
    %cond3A_40 = arith.constant 0 : i32
    %cond3A_41 = arith.cmpi ne, %convert_element_type3A_39, %cond3A_40 : i32
    scf.if %cond3A_41 {
      "tpu.region"() ({
        %run_scoped3A = tpu.sem_alloc : memref<!tpu.dma_semaphore, #tpu.memory_space<semaphore_mem>>
        %dma_start3A_42 = arith.constant 0 : i32
        %dma_start3A_43 = arith.constant 0 : i32
        %dma_start3A_44 = tpu.memref_slice %arg5[%dma_start3A_42, %dma_start3A_43] : memref<64x128xf32, #tpu.memory_space<vmem>> -> memref<16x128xf32, #tpu.memory_space<vmem>>
        %dma_start3A_45 = arith.constant 0 : i32
        %dma_start3A_46 = arith.constant 0 : i32
        %dma_start3A_47 = tpu.memref_slice %arg5[%dma_start3A_45, %dma_start3A_46] : memref<64x128xf32, #tpu.memory_space<vmem>> -> memref<16x128xf32, #tpu.memory_space<vmem>>
        tpu.enqueue_dma source(%arg3 : memref<16x128xf32, #tpu.memory_space<hbm>>) target(%dma_start3A_47 : memref<16x128xf32, #tpu.memory_space<vmem>>) target_semaphore(%run_scoped3A : memref<!tpu.dma_semaphore, #tpu.memory_space<semaphore_mem>>)
        %dma_wait3A = arith.constant 0 : i32
        %dma_wait3A_48 = arith.constant 0 : i32
        %dma_wait3A_49 = tpu.memref_slice %arg5[%dma_wait3A, %dma_wait3A_48] : memref<64x128xf32, #tpu.memory_space<vmem>> -> memref<16x128xf32, #tpu.memory_space<vmem>>
        %dma_wait3A_50 = arith.constant 0 : i32
        %dma_wait3A_51 = arith.constant 0 : i32
        %dma_wait3A_52 = tpu.memref_slice %arg5[%dma_wait3A_50, %dma_wait3A_51] : memref<64x128xf32, #tpu.memory_space<vmem>> -> memref<16x128xf32, #tpu.memory_space<vmem>>
        tpu.wait_dma2 semaphore(%run_scoped3A : memref<!tpu.dma_semaphore, #tpu.memory_space<semaphore_mem>>) src(%arg3 : memref<16x128xf32, #tpu.memory_space<hbm>>) dst(%dma_wait3A_52 : memref<16x128xf32, #tpu.memory_space<vmem>>)
        tpu.yield
      }) : () -> ()
      "tpu.region"() ({
        %run_scoped3A = tpu.sem_alloc : memref<!tpu.dma_semaphore, #tpu.memory_space<semaphore_mem>>
        %dma_start3A_42 = arith.constant 0 : i32
        %dma_start3A_43 = arith.constant 0 : i32
        %dma_start3A_44 = tpu.memref_slice %arg5[%dma_start3A_42, %dma_start3A_43] : memref<64x128xf32, #tpu.memory_space<vmem>> -> memref<16x128xf32, #tpu.memory_space<vmem>>
        %dma_start3A_45 = arith.constant 49984 : i32
        %dma_start3A_46 = arith.constant 0 : i32
        %dma_start3A_47 = tpu.memref_slice %arg4[%dma_start3A_45, %dma_start3A_46] : memref<50000x128xf32, #tpu.memory_space<hbm>> -> memref<16x128xf32, #tpu.memory_space<hbm>>
        %dma_start3A_48 = arith.constant 49984 : i32
        %dma_start3A_49 = arith.constant 0 : i32
        %dma_start3A_50 = tpu.memref_slice %arg4[%dma_start3A_48, %dma_start3A_49] : memref<50000x128xf32, #tpu.memory_space<hbm>> -> memref<16x128xf32, #tpu.memory_space<hbm>>
        %dma_start3A_51 = arith.constant 0 : i32
        %dma_start3A_52 = arith.constant 0 : i32
        %dma_start3A_53 = tpu.memref_slice %arg5[%dma_start3A_51, %dma_start3A_52] : memref<64x128xf32, #tpu.memory_space<vmem>> -> memref<16x128xf32, #tpu.memory_space<vmem>>
        tpu.enqueue_dma source(%dma_start3A_53 : memref<16x128xf32, #tpu.memory_space<vmem>>) target(%dma_start3A_50 : memref<16x128xf32, #tpu.memory_space<hbm>>) target_semaphore(%run_scoped3A : memref<!tpu.dma_semaphore, #tpu.memory_space<semaphore_mem>>)
        %dma_wait3A = arith.constant 0 : i32
        %dma_wait3A_54 = arith.constant 0 : i32
        %dma_wait3A_55 = tpu.memref_slice %arg5[%dma_wait3A, %dma_wait3A_54] : memref<64x128xf32, #tpu.memory_space<vmem>> -> memref<16x128xf32, #tpu.memory_space<vmem>>
        %dma_wait3A_56 = arith.constant 49984 : i32
        %dma_wait3A_57 = arith.constant 0 : i32
        %dma_wait3A_58 = tpu.memref_slice %arg4[%dma_wait3A_56, %dma_wait3A_57] : memref<50000x128xf32, #tpu.memory_space<hbm>> -> memref<16x128xf32, #tpu.memory_space<hbm>>
        %dma_wait3A_59 = arith.constant 49984 : i32
        %dma_wait3A_60 = arith.constant 0 : i32
        %dma_wait3A_61 = tpu.memref_slice %arg4[%dma_wait3A_59, %dma_wait3A_60] : memref<50000x128xf32, #tpu.memory_space<hbm>> -> memref<16x128xf32, #tpu.memory_space<hbm>>
        %dma_wait3A_62 = arith.constant 0 : i32
        %dma_wait3A_63 = arith.constant 0 : i32
        %dma_wait3A_64 = tpu.memref_slice %arg5[%dma_wait3A_62, %dma_wait3A_63] : memref<64x128xf32, #tpu.memory_space<vmem>> -> memref<16x128xf32, #tpu.memory_space<vmem>>
        tpu.wait_dma2 semaphore(%run_scoped3A : memref<!tpu.dma_semaphore, #tpu.memory_space<semaphore_mem>>) src(%dma_wait3A_64 : memref<16x128xf32, #tpu.memory_space<vmem>>) dst(%dma_wait3A_61 : memref<16x128xf32, #tpu.memory_space<hbm>>)
        tpu.yield
      }) : () -> ()
    } else {
    }
    return
  }
}

</mosaic_0001>

<sc_bundles>
// kernel: _convert_table.3.cloned.1.call-start
scs
__scs_entry_jumppad:
0x0: {  	(pc) =	sbr.rel $0x88, $3  }
0x1: {  	(tag) =	ssettag $0x0;
	lr =	simm.s32 $0x1  }
0x2: {  	[smem:$0x3FA0] =	sst lr;
	_ =	strace $0xD0000000  }
0x3: {  	_ = 	snop  }
0x4: {  	_ = 	snop  }
0x5: {  	_ = 	snop  }
0x6: {  	_ = 	snop  }
0x7: {  	_ = 	snop  }
__scs_overlays_trampoline_lowered:
0x8: {  	[smem:$0x3FAF] =	sst s0  }
0x9: {  	[smem:$0x3FB0] =	sst s1  }
0xa: {  	[smem:$0x3FB1] =	sst s2  }
0xb: {  	[smem:$0x3FB2] =	sst s3  }
0xc: {  	[smem:$0x3FB3] =	sst s4  }
0xd: {  	[smem:$0x3FB4] =	sst s5  }
0xe: {  	[smem:$0x3FB5] =	sst s6  }
0xf: {  	[smem:$0x3FB6] =	sst s7  }
0x10: {  	[smem:$0x3FB7] =	sst s8  }
0x11: {  	[smem:$0x3FB8] =	sst s9;
	s0 =	simm.s32 @!p0 $0x0  }
0x12: {  	s1 =	sld [smem:$0x3F9E];
	s0 =	simm.s32 @p0 $0x1  }
0x13: {  	[smem:$0x3FB9] =	sst s0;
	s0 =	simm.s32 @!p1 $0x0  }
0x14: {  	s2 =	sld [smem:$0x3F9D];
	s0 =	simm.s32 @p1 $0x1  }
0x15: {  	[smem:$0x3FBA] =	sst s0;
	s0 =	simm.s32 @!p2 $0x0  }
0x16: {  	s3 =	sld [smem:$0x3FDB];
	s0 =	simm.s32 @p2 $0x1  }
0x17: {  	s4 =	simm.s32 $0x1BF5;
	[smem:$0x3FBC] =	sst s0  }
0x18: {  	s0 =	sld [smem:$0x3F9F];
	_ =	swait.ge [sflag:s4], $0x0  }
0x19: {  	s7 =	sld [smem:$0x3FA0]  }
0x1a: {  	s8 =	sadd.s32 $0xFFFFE003, lr  }
0x1b: {  	s9 =	sadd.s32 $0xFFFFFEF7, lr;
	s5 =	simm.s32 $0xFFFFFFFF;
	p2 =	slt.u32 s8, $0xFFFFF086  }
0x1c: {  	p1 =	slt.u32 s9, $0xF7A;
	s5 =	simm.s32 @!p2 $0x0  }
0x1d: {  	s5 =	simm.s32 @p1 $0x1;
	p0 =	seq.s32 s7, s2  }
0x1e: {  	s7 =	smul.u32 @!p0 $0xF7A, s2;
	p2 =	seq.s32 @!p0 s5, $0x0  }
0x1f: {  	s9 =	smul.u32 $0xF7A, s1;
	s8 =	simm.s32 @!p0 $0x1BF5;
	p2 =	por !p2, p0  }
0x20: {  	[sflag:s8] =	ssyncset.s32 @!p0 $0xFFFFF086;
	s6 =	sadd.s32 @!p0 s3, s7;
	s7 =	simm.s32 @!p0 $0x108  }
0x21: {  	s3 =	sadd.s32 s3, s9;
	s6 =	sadd.s32 @!p0 $0x88, s6;
	s7 =	simm.s32 @p2 $0x1082  }
0x22: {  	[simem:s7], [sflag:s8] =	dma.local @!p0 [hbm:s6], $0xF7A  }
0x23: {  	s9 =	sor.u32 $0xD0000000, s2;
	s6 =	simm.s32 $0x108;
	_ =	swait.ge @!p0 [sflag:s8], $0x0  }
0x24: {  	s3 =	sadd.s32 $0x88, s3;
	s6 =	simm.s32 @!p1 $0x1082;
	[sflag:s4] =	ssyncset.s32 $0xFFFFF086  }
0x25: {  	[simem:s6], [sflag:s4] =	dma.local [hbm:s3], $0xF7A  }
0x26: {  	[smem:$0x3FA0] =	sst s1;
	(tag) =	ssettag s2;
	_ =	strace s9  }
0x27: {  	s1 =	sld [smem:$0x3FB0]  }
0x28: {  	s2 =	sld [smem:$0x3FB1]  }
0x29: {  	s4 =	sld [smem:$0x3FB3]  }
0x2a: {  	p0 =	seq.s32 s5, $0x0;
	s5 =	sld [smem:$0x3FB4]  }
0x2b: {  	s6 =	sld [smem:$0x3FB5]  }
0x2c: {  	s7 =	sld [smem:$0x3FB6]  }
0x2d: {  	s3 =	simm.s32 $0x108;
	s8 =	sld [smem:$0x3FB7]  }
0x2e: {  	s3 =	simm.s32 @!p0 $0x1082;
	s9 =	sld [smem:$0x3FB8]  }
0x2f: {  	lr =	sadd.s32 s0, s3;
	s0 =	sld [smem:$0x3FAF]  }
0x30: {  	s3 =	sld [smem:$0x3FB2]  }
0x31: {  	[smem:$0x3FBB] =	sst s10  }
0x32: {  	s10 =	sld [smem:$0x3FB9];
	_ =	sdelay $0x3  }
0x33: {  	p0 =	seq.s32 s10, $0x1;
	s10 =	sld [smem:$0x3FBB];
	_ =	sdelay $0x3  }
0x34: {  	[smem:$0x3FBB] =	sst s10  }
0x35: {  	s10 =	sld [smem:$0x3FBA];
	_ =	sdelay $0x3  }
0x36: {  	p1 =	seq.s32 s10, $0x1;
	s10 =	sld [smem:$0x3FBB];
	_ =	sdelay $0x3  }
0x37: {  	[smem:$0x3FBB] =	sst s10  }
0x38: {  	s10 =	sld [smem:$0x3FBC]  }
0x39: {  	_ = 	snop;
	(pc) =	sbr.ind lr, $3  }
0x3a: {  	_ = 	snop  }
0x3b: {  	_ = 	snop  }
0x3c: {  	p2 =	seq.s32 s10, $0x1;
	s10 =	sld [smem:$0x3FBB]  }
0x3d: {  	_ =	shalt  }
0x3e: {  	_ =	shalt  }
0x3f: {  	_ =	shalt  }
0x40: {  	_ =	shalt  }
0x41: {  	_ =	shalt  }
0x42: {  	_ =	shalt  }
0x43: {  	_ =	shalt  }
0x44: {  	_ =	shalt  }
0x45: {  	_ =	shalt  }
0x46: {  	_ =	shalt  }
0x47: {  	_ =	shalt  }
0x48: {  	_ =	shalt  }
0x49: {  	_ =	shalt  }
0x4a: {  	_ =	shalt  }
0x4b: {  	_ =	shalt  }
0x4c: {  	_ =	shalt  }
0x4d: {  	_ =	shalt  }
0x4e: {  	_ =	shalt  }
0x4f: {  	_ =	shalt  }
0x50: {  	_ =	shalt  }
0x51: {  	_ =	shalt  }
0x52: {  	_ =	shalt  }
0x53: {  	_ =	shalt  }
0x54: {  	_ =	shalt  }
0x55: {  	_ =	shalt  }
0x56: {  	_ =	shalt  }
0x57: {  	_ =	shalt  }
0x58: {  	_ =	shalt  }
0x59: {  	_ =	shalt  }
0x5a: {  	_ =	shalt  }
0x5b: {  	_ =	shalt  }
0x5c: {  	_ =	shalt  }
0x5d: {  	_ =	shalt  }
0x5e: {  	_ =	shalt  }
0x5f: {  	_ =	shalt  }
0x60: {  	_ =	shalt  }
0x61: {  	_ =	shalt  }
0x62: {  	_ =	shalt  }
0x63: {  	_ =	shalt  }
0x64: {  	_ =	shalt  }
0x65: {  	_ =	shalt  }
0x66: {  	_ =	shalt  }
0x67: {  	_ =	shalt  }
0x68: {  	_ =	shalt  }
0x69: {  	_ =	shalt  }
0x6a: {  	_ =	shalt  }
0x6b: {  	_ =	shalt  }
0x6c: {  	_ =	shalt  }
0x6d: {  	_ =	shalt  }
0x6e: {  	_ =	shalt  }
0x6f: {  	_ =	shalt  }
0x70: {  	_ =	shalt  }
0x71: {  	_ =	shalt  }
0x72: {  	_ =	shalt  }
0x73: {  	_ =	shalt  }
0x74: {  	_ =	shalt  }
0x75: {  	_ =	shalt  }
0x76: {  	_ =	shalt  }
0x77: {  	_ =	shalt  }
0x78: {  	_ =	shalt  }
0x79: {  	_ =	shalt  }
0x7a: {  	_ =	shalt  }
0x7b: {  	_ =	shalt  }
0x7c: {  	_ =	shalt  }
0x7d: {  	_ =	shalt  }
0x7e: {  	_ =	shalt  }
0x7f: {  	_ =	shalt  }
0x80: {  	_ =	shalt  }
0x81: {  	_ =	shalt  }
0x82: {  	_ =	shalt  }
0x83: {  	_ =	shalt  }
0x84: {  	_ =	shalt  }
0x85: {  	_ =	shalt  }
0x86: {  	_ =	shalt  }
0x87: {  	_ =	shalt  }
.Lfunc_end0:
.L_simem_size_0:
called_computation_lowered:
.L_overlay_start_0:
0x88: {  	s2 =	sld [smem:$0x3FD9]  }
0x89: {  	s3 =	sld [smem:$0x3FFE];
	_ =	sdelay $0x1  }
0x8a: {  	s1 =	srdreg.scid  }
0x8b: {  	s0 =	sand.u32 $0x1, s1  }
0x8c: {  	s17 =	sshll.u32 s0, $0xA;
	s2 =	sadd.s32 s3, s2  }
0x8d: {  	s2 =	sadd.s32 s2, s17  }
0x8e: {  	[smem:$0x3FC7] =	sst s2  }
0x8f: {  	_ = 	snop  }
0x90: {  	s2 =	sld [smem:$0x3FC9]  }
0x91: {  	s18 =	sld [smem:$0x3FD0];
	(tm) =	ssettm $0x1  }
0x92: {  	s4 =	sld [smem:$0x3FFB];
	_ =	sdelay $0x3  }
0x93: {  	_ =	strace s4  }
0x94: {  	s4 =	sld [smem:$0x3FFC];
	_ =	sdelay $0x3  }
0x95: {  	_ =	strace s4  }
0x96: {  	s4 =	sld [smem:$0x3FFD];
	_ =	sdelay $0x3  }
0x97: {  	_ =	strace s4  }
0x98: {  	_ =	strace $0x8FFFFFFF  }
0x99: {  	s19 =	sld [smem:$0x3FDB];
	_ =	sdelay $0x1  }
0x9a: {  	s5 =	simm.s32 $_scs_section_size  }
0x9b: {  	s6 =	simm.s32 $_size__tile_overlayer_lowered;
	s7 =	simm.s32 $_tile_overlayer_lowered  }
0x9c: {  	s22 =	simm.s32 $0x1BFF;
	s21 =	sshll.u32 s7, $0x1;
	s4 =	sadd.s32 s5, s19  }
0x9d: {  	s8 =	simm.s32 $0x0;
	s20 =	sshll.u32 s6, $0x1;
	s6 =	sadd.s32 s21, s4  }
0x9e: {  	[timem:s8], [sflag:s22] =	dma.local [hbm:s6], s20  }
0x9f: {  	_ =	swait.ge [sflag:s22], s20  }
0xa0: {  	s5 =	ssub.s32 $0x0, s20;
	[sflag:s22] =	ssyncset.done $0x0  }
0xa1: {  	[sflag:s22] =	ssyncadd.s32 s5;
	_ =	sdelay $0x1  }
0xa2: {  	s23 =	simm.s32 $0x1B8B  }
0xa3: {  	_ =	swait.ge [sflag:s23], $0x1  }
0xa4: {  	[sflag:s23] =	ssyncset.done $0x0  }
0xa5: {  	s25 =	simm.s32 $0x1B8E;
	s24 =	sld [smem:$0x3FFE];
	[sflag:s23] =	ssyncadd.s32 $0xFFFFFFFF  }
0xa6: {  	s26 =	simm.s32 $execute0_lowered;
	[smem:$0x3FD2] =	sst s25  }
0xa7: {  	s6 =	sshll.u32 s26, $0x1;
	_ =	strace $0x80000046;
	[dreg:$0x1] =	wrdreg $0xFFFFFFFF  }
0xa8: {  	s28 =	simm.s32 $_size_execute0_lowered;
	s4 =	sadd.s32 s4, s6;
	[dreg:$0x0] =	wrdreg $0x0  }
0xa9: {  	s6 =	sshll.u32 s28, $0x1;
	[dreg:$0x2] =	wrdreg s4  }
0xaa: {  	[dreg:$0x3] =	wrdreg s6  }
0xab: {  	[dreg:$0x4] =	wrdreg $0xC0  }
0xac: {  	_ =	task [dreg:s8], $0x5FFFF  }
0xad: {  	[dreg:$0x1] =	wrdreg $0xFFFFFFFF  }
0xae: {  	[dreg:$0x0] =	wrdreg $0x60  }
0xaf: {  	[dreg:$0x2] =	wrdreg s2  }
0xb0: {  	[dreg:$0x3] =	wrdreg s24  }
0xb1: {  	[dreg:$0x4] =	wrdreg s18  }
0xb2: {  	[dreg:$0x5] =	wrdreg $0x9  }
0xb3: {  	_ =	task.clear_ibuf [dreg:s8], $0x6FFFF;
	_ =	strace $0x90000046  }
0xb4: {  	s29 =	simm.s32 $0x9;
	_ =	strace $0x80000048  }
0xb5: {  	_ =	swait.ge [sflag:s29], $0x1  }
0xb6: {  	[sflag:s29] =	ssyncadd.s32 $0xFFFFFFFF  }
0xb7: {  	_ =	strace $0x90000048  }
0xb8: {  	_ =	sfence  }
0xb9: {  	s30 =	sld [smem:$0x0];
	_ =	sdelay $0x2  }
0xba: {  	s31 =	sshll.u32 s1, $0xD;
	s1 =	sshrl.u32 s1, $0x2  }
0xbb: {  	s3 =	sand.u32 $0x4000, s31;
	s1 =	sadd.s32 s1, s30  }
0xbc: {  	s0 =	sor.u32 s3, s0;
	s1 =	sshll.u32 s1, $0x11  }
0xbd: {  	s0 =	sor.u32 s1, s0  }
0xbe: {  	s0 =	sadd.s32 $0x8F2B, s0  }
0xbf: {  	[sflag:s0] =	ssyncadd.remote.s32 $0x1  }
0xc0: {  	_ =	sfence.sel $0xFFFF  }
0xc1: {  	[dreg:$0x0] =	wrdreg $0xFFFFFFFF;
	(pc) =	sbr.abs _section_cstart, $3  }
0xc2: {  	[dreg:$0x1] =	wrdreg $0xFFFFFFFF  }
0xc3: {  	_ =	task.clear_ibuf [dreg:s8], $0x2FFFF;
	_ =	strace $0x9FFFFFFF  }
0xc4: {  	(tm) =	ssettm $0x7FFFFFFF  }
0xc5: {  	_ =	shalt  }
tec
execute0_lowered:
.L_overlay_start_1:
0x0: {  	(tag) =	ssettag $0x1  }
0x1: {  	s0 =	rddreg [dreg:$0x0]  }
0x2: {  	s5 =	rddreg [dreg:$0x1]  }
0x3: {  	v63 =	vlaneseq.u32;
	s3 =	rddreg [dreg:$0x2];
	s4 =	simm.s32 $0x0  }
0x4: {  	s2 =	srdreg.scid;
	v57 =	vmul.u32 $0x80, v63;
	v58 =	vor.u32 $0x10, v63;
	[smem:$0x7FF] =	sst s4  }
0x5: {  	s6 =	sand.u32 $0x1, s2;
	v59 =	vor.u32 $0x20, v63;
	s2 =	rddreg [dreg:$0x3];
	_ =	strace $0x80000047;
	[tilespmem:$0x1FF50] =	vst v58  }
0x6: {  	v60 =	vor.u32 $0x30, v63;
	[tilespmem:$0x1FF60] =	vst v59;
	v61 =	vor.u32 $0x800, v57  }
0x7: {  	s1 =	stileid.u32;
	s11 =	simm.s32 $0x400;
	s12 =	simm.s32 $0xC3800;
	[tilespmem:$0x1FF70] =	vst v60;
	v62 =	vor.u32 $0x1000, v57;
	v5 =	vor.u32 $0x1800, v57;
	v2 =	vor.u32 $0x10, v57  }
0x8: {  	s13 =	simm.s32 $0x1;
	s14 =	simm.s32 $0x4000;
	s15 =	simm.s32 $0x2;
	v53 =	vor.u32 $0x810, v57;
	v18 =	vor.u32 $0x1010, v57;
	v8 =	vor.u32 $0x1810, v57;
	[tilespmem:$0x1FF40] =	vst v57  }
0x9: {  	s16 =	simm.s32 $0x2000;
	s18 =	simm.s32 $0x0;
	s7 =	sshll.u32 s1, $0x1;
	v4 =	vor.u32 $0x20, v57;
	v26 =	vor.u32 $0x820, v57;
	v27 =	vor.u32 $0x1020, v57;
	[tilespmem:$0x1FF80] =	vst v61  }
0xa: {  	s26 =	simm.s32 $0x0;
	s17 =	sor.u32 s6, s7;
	s6 =	ssub.s32 $0x2, s6;
	v9 =	vor.u32 $0x1820, v57;
	v16 =	vor.u32 $0x30, v57;
	v20 =	vor.u32 $0x830, v57;
	[tilespmem:$0x1FF90] =	vst v62  }
0xb: {  	s5 =	sadd.s32 $0x400, s5;
	s7 =	smul.u32 $0x18, s17;
	s8 =	sshrl.u32 s6, $0x1;
	v24 =	vor.u32 $0x1030, v57;
	v28 =	vor.u32 $0x1830, v57;
	v55 =	vor.u32 $0x40, v57;
	[tilespmem:$0x1FFA0] =	vst v2  }
.Ltmp0:
0xc: {  	s9 =	smin.u32 s17, $0xD;
	p0 =	slt.u32 s17, $0xD;
	v30 =	vor.u32 $0x840, v57;
	v31 =	vor.u32 $0x1040, v57;
	v19 =	vor.u32 $0x1840, v57;
	[tilespmem:$0x1FFB0] =	vst v5;
	(pc) =	sbr.rel .LBB2_1-.Ltmp0, $4  }
0xd: {  	v29 =	vor.u32 $0x50, v57;
	v32 =	vor.u32 $0x850, v57;
	v33 =	vor.u32 $0x1050, v57;
	s10 =	ssub.s32 s6, s8;
	[tilespmem:$0x1FFC0] =	vst v8;
	s6 =	sadd.s32 s9, s7;
	s7 =	simm.s32 $0x19  }
0xe: {  	v35 =	vor.u32 $0x1850, v57;
	v10 =	vor.u32 $0x60, v57;
	v11 =	vor.u32 $0x860, v57;
	[tilespmem:$0x1FFD0] =	vst v18;
	s9 =	sadd.s32 $0xC3400, s3;
	s7 =	simm.s32 @!p0 $0x18;
	p0 =	sgt.u32 s17, $0xC  }
0xf: {  	v12 =	vor.u32 $0x1060, v57;
	v13 =	vor.u32 $0x1860, v57;
	v34 =	vor.u32 $0x1870, v57;
	[tilespmem:$0x1FFE0] =	vst v35;
	s10 =	smax.u32 s10, $0x1;
	s31 =	sshll.u32 s6, $0x7;
	p1 =	sne.s32 @p0 s17, $0x1F  }
0x10: {  	v14 =	vor.u32 $0x70, v57;
	v15 =	vor.u32 $0x870, v57;
	v17 =	vor.u32 $0x1070, v57;
	[tilespmem:$0x1FFF0] =	vst v34;
	s8 =	sadd.s32 s0, s31;
	s17 =	simm.s32 $0x6000;
	p1 =	por p1, !p0  }
.LBB2_11:
0x11: {  	s19 =	simm.s32 @p0 $0x3  }
0x12: {  	_ =	swait.ge @p0 [sflag:s19], $0x2000  }
0x13: {  	[sflag:s19] =	ssyncset.done @p0 $0x0  }
0x14: {  	[sflag:s19] =	ssyncadd.s32 @p0 $0xFFFFE000;
	s19 =	simm.s32 @p0 $0x4  }
0x15: {  	_ =	swait.ge @p0 [sflag:s19], $0x2000  }
0x16: {  	[sflag:s19] =	ssyncset.done @p0 $0x0  }
0x17: {  	s20 =	simm.s32 @!p1 $0x5;
	[sflag:s19] =	ssyncadd.s32 @p0 $0xFFFFE000;
	s19 =	simm.s32 @!p1 $0x0  }
0x18: {  	[tilespmem:s19], [sflag:$0x5] =	stream.linear.gather @!p1 [hbm4b:s5+s19], $0x800, $0x38;
	[tilespmem:$0x8000] =	vst v63  }
0x19: {  	_ =	swait.ge @!p1 [sflag:s20], $0x800  }
0x1a: {  	[sflag:s20] =	ssyncset.done @!p1 $0x0  }
0x1b: {  	[sflag:s20] =	ssyncadd.s32 @!p1 $0xFFFFF800  }
0x1c: {  	[hbm4b:s9+s19] =	stream.linear.scatter @!p1 [tilespmem:s19], [sflag:$0x5], $0x800, $0x38;
	[tilespmem:$0x8000] =	vst v63  }
0x1d: {  	_ =	swait.ge @!p1 [sflag:s20], $0x800  }
0x1e: {  	[sflag:s20] =	ssyncset.done @!p1 $0x0  }
0x1f: {  	s18 =	sadd.s32 $0x1, s18;
	s19 =	simm.s32 @!p0 $0x4;
	[sflag:s20] =	ssyncadd.s32 @!p1 $0xFFFFF800  }
0x20: {  	p2 =	sne.s32 s18, s10;
	_ =	swait.ge @!p0 [sflag:s19], $0x2000  }
.Ltmp1:
0x21: {  	[sflag:s19] =	ssyncset.done @!p0 $0x0;
	(pc) =	sbr.rel @!p2 .LBB2_12-.Ltmp1, $4  }
0x22: {  	[sflag:s19] =	ssyncadd.s32 @!p0 $0xFFFFE000;
	s19 =	simm.s32 @!p0 $0x3  }
0x23: {  	_ =	swait.ge @!p0 [sflag:s19], $0x2000  }
0x24: {  	[sflag:s19] =	ssyncset.done @!p0 $0x0  }
0x25: {  	[sflag:s19] =	ssyncadd.s32 @!p0 $0xFFFFE000  }
.LBB2_1:
.Ltmp2:
0x26: {  	(pc) =	sbr.rel .LBB2_2-.Ltmp2, $3  }
0x27: {  	_ =	sdelay $0x1  }
0x28: {  	[tilespmem:s4], [sflag:$0x1] =	stream.strided.gather [hbm4b:s8+s11], $0x2000, s12, s11, $0x38;
	[tilespmem:$0x8000] =	vst v63  }
0x29: {  	s19 =	simm.s32 $0x0  }
.LBB2_10:
0x2a: {  	s19 =	sadd.s32 $0x1, s19  }
0x2b: {  	p2 =	sne.s32 s19, $0xD  }
.Ltmp3:
0x2c: {  	_ = 	snop;
	(pc) =	sbr.rel @!p2 .LBB2_11-.Ltmp3, $1  }
0x2d: {  	_ =	sdelay $0x3  }
.LBB2_2:
0x2e: {  	s21 =	sshll.u32 s19, $0x1  }
0x2f: {  	p2 =	slt.u32 s21, s7  }
.Ltmp4:
0x30: {  	_ = 	snop;
	(pc) =	sbr.rel @!p2 .LBB2_6-.Ltmp4, $2  }
0x31: {  	_ =	sdelay $0x2  }
0x32: {  	s20 =	sor.u32 $0x1, s21  }
0x33: {  	p2 =	sge.u32 s20, s7  }
0x34: {  	_ =	swait.ge [sflag:s13], $0x2000;
	s22 =	sadd.s32 @!p2 s6, s20  }
0x35: {  	[sflag:s13] =	ssyncset.done $0x0;
	s22 =	sshll.u32 @!p2 s22, $0x7  }
0x36: {  	s23 =	simm.s32 @!p2 $0x400;
	s24 =	simm.s32 @!p2 $0xC3800;
	s22 =	sand.u32 @!p2 $0x1FFFFF80, s22  }
0x37: {  	s25 =	simm.s32 @!p2 $0x2000;
	[sflag:s13] =	ssyncadd.s32 $0xFFFFE000;
	s22 =	sadd.s32 @!p2 s0, s22  }
0x38: {  	v36 =	vadd.s32 s26, v63;
	[tilespmem:s25], [sflag:$0x2] =	stream.strided.gather @!p2 [hbm4b:s22+s23], $0x2000, s24, s23, $0x38;
	[tilespmem:$0x8000] =	vst v63  }
0x39: {  	v37 =	vand.u32 $0xF, v36;
	v38 =	vor.u32 v2, v36;
	p2 =	seq.s32 s19, $0x0  }
0x3a: {  	v39 =	vor.u32 v57, v37;
	s22 =	simm.s32 @!p2 $0x3  }
0x3b: {  	v40 =	vor.u32 v61, v37;
	_ =	swait.ge @!p2 [sflag:s22], $0x2000  }
0x3c: {  	v41 =	vor.u32 v5, v37;
	[sflag:s22] =	ssyncset.done @!p2 $0x0  }
0x3d: {  	v43 =	vshll.u32 v36, $0x6;
	v42 =	vor.u32 v62, v37;
	[sflag:s22] =	ssyncadd.s32 @!p2 $0xFFFFE000  }
0x3e: {  	v44 =	vor.u32 v8, v36;
	v46 =	vor.u32 v53, v36;
	v45 =	vand.u32 $0x40, v43;
	v38 =	vld.idx.msk [tilespmem:v38+s4+$0x0], $0xffff  }
0x3f: {  	v47 =	vor.u32 v18, v36;
	v43 =	vand.u32 $0x380, v43;
	v51 =	vor.u32 v63, v45;
	v39 =	vld.idx.msk [tilespmem:v39+s4+$0x0], $0xffff  }
0x40: {  	v18 =	vmov v53;
	v53 =	vor.u32 v58, v45;
	v48 =	vor.u32 v43, v51;
	v40 =	vld.idx.msk [tilespmem:v40+s4+$0x0], $0xffff  }
0x41: {  	v54 =	vor.u32 v59, v45;
	v49 =	vor.u32 v43, v53;
	v41 =	vld.idx.msk [tilespmem:v41+s4+$0x0], $0xffff  }
0x42: {  	v1 =	vmovc v19;
	v19 =	vmov v55;
	v55 =	vor.u32 v60, v45;
	v45 =	vor.u32 v43, v54;
	v42 =	vld.idx.msk [tilespmem:v42+s4+$0x0], $0xffff  }
0x43: {  	v50 =	vor.u32 $0x400, v43;
	v52 =	vor.u32 v43, v55;
	v44 =	vld.idx.msk [tilespmem:v44+s4+$0x0], $0xffff  }
0x44: {  	v56 =	vor.u32 v51, v50;
	v46 =	vld.idx.msk [tilespmem:v46+s4+$0x0], $0xffff  }
0x45: {  	v47 =	vld.idx.msk [tilespmem:v47+s4+$0x0], $0xffff;
	[tilespmem:v48+s14+$0x0] =	vst.idx.msk $0xffff, v39;
	v39 =	vor.u32 v53, v50  }
0x46: {  	v48 =	vor.u32 v54, v50;
	[tilespmem:v49+s14+$0x0] =	vst.idx.msk $0xffff, v40  }
0x47: {  	v22 =	vmov v10;
	v10 =	vmov v35;
	v35 =	vor.u32 v55, v50;
	[tilespmem:v45+s14+$0x0] =	vst.idx.msk $0xffff, v42  }
0x48: {  	v45 =	vor.u32 v27, v37;
	[tilespmem:v52+s14+$0x0] =	vst.idx.msk $0xffff, v41  }
0x49: {  	v49 =	vor.u32 v26, v37;
	[tilespmem:v56+s14+$0x0] =	vst.idx.msk $0xffff, v38  }
0x4a: {  	v50 =	vor.u32 v4, v37;
	[tilespmem:v39+s14+$0x0] =	vst.idx.msk $0xffff, v46  }
0x4b: {  	v42 =	vor.u32 v9, v37;
	[tilespmem:v48+s14+$0x0] =	vst.idx.msk $0xffff, v47  }
0x4c: {  	v40 =	vor.u32 v16, v36;
	[tilespmem:v35+s14+$0x0] =	vst.idx.msk $0xffff, v44  }
0x4d: {  	v52 =	vor.u32 v20, v36;
	v41 =	vld.idx.msk [tilespmem:v45+s4+$0x0], $0xffff  }
0x4e: {  	v56 =	vor.u32 $0x800, v43;
	v47 =	vor.u32 v28, v36;
	v38 =	vld.idx.msk [tilespmem:v49+s4+$0x0], $0xffff  }
0x4f: {  	v35 =	vor.u32 v51, v56;
	v45 =	vor.u32 v24, v36;
	v39 =	vld.idx.msk [tilespmem:v50+s4+$0x0], $0xffff  }
0x50: {  	v42 =	vld.idx.msk [tilespmem:v42+s4+$0x0], $0xffff;
	v49 =	vor.u32 v53, v56  }
0x51: {  	v40 =	vld.idx.msk [tilespmem:v40+s4+$0x0], $0xffff;
	v50 =	vor.u32 v54, v56  }
0x52: {  	v46 =	vor.u32 v55, v56;
	v44 =	vld.idx.msk [tilespmem:v52+s4+$0x0], $0xffff;
	v52 =	vor.u32 $0xC00, v43  }
0x53: {  	v56 =	vor.u32 v51, v52;
	v47 =	vld.idx.msk [tilespmem:v47+s4+$0x0], $0xffff  }
0x54: {  	v45 =	vld.idx.msk [tilespmem:v45+s4+$0x0], $0xffff;
	[tilespmem:v35+s14+$0x0] =	vst.idx.msk $0xffff, v39;
	v35 =	vor.u32 v53, v52  }
0x55: {  	v48 =	vor.u32 v54, v52;
	[tilespmem:v49+s14+$0x0] =	vst.idx.msk $0xffff, v38  }
0x56: {  	v52 =	vor.u32 v55, v52;
	[tilespmem:v50+s14+$0x0] =	vst.idx.msk $0xffff, v41  }
0x57: {  	[tilespmem:v46+s14+$0x0] =	vst.idx.msk $0xffff, v42;
	v46 =	vor.u32 v31, v37  }
0x58: {  	v49 =	vor.u32 v30, v37;
	[tilespmem:v56+s14+$0x0] =	vst.idx.msk $0xffff, v40  }
0x59: {  	v50 =	vor.u32 v19, v37;
	[tilespmem:v35+s14+$0x0] =	vst.idx.msk $0xffff, v44  }
0x5a: {  	v42 =	vor.u32 v10, v36;
	[tilespmem:v48+s14+$0x0] =	vst.idx.msk $0xffff, v45  }
0x5b: {  	v38 =	vor.u32 v33, v36;
	[tilespmem:v52+s14+$0x0] =	vst.idx.msk $0xffff, v47  }
0x5c: {  	v52 =	vor.u32 v1, v37;
	v41 =	vld.idx.msk [tilespmem:v46+s4+$0x0], $0xffff  }
0x5d: {  	v56 =	vor.u32 $0x1000, v43;
	v45 =	vor.u32 v29, v36;
	v40 =	vld.idx.msk [tilespmem:v49+s4+$0x0], $0xffff  }
0x5e: {  	v48 =	vor.u32 v51, v56;
	v47 =	vor.u32 v32, v36;
	v39 =	vld.idx.msk [tilespmem:v50+s4+$0x0], $0xffff  }
0x5f: {  	v42 =	vld.idx.msk [tilespmem:v42+s4+$0x0], $0xffff;
	v49 =	vor.u32 v53, v56  }
0x60: {  	v38 =	vld.idx.msk [tilespmem:v38+s4+$0x0], $0xffff;
	v50 =	vor.u32 v54, v56  }
0x61: {  	v46 =	vor.u32 v55, v56;
	v44 =	vld.idx.msk [tilespmem:v52+s4+$0x0], $0xffff;
	v52 =	vor.u32 $0x1400, v43  }
0x62: {  	v45 =	vld.idx.msk [tilespmem:v45+s4+$0x0], $0xffff;
	v56 =	vor.u32 v51, v52  }
0x63: {  	v47 =	vld.idx.msk [tilespmem:v47+s4+$0x0], $0xffff;
	[tilespmem:v48+s14+$0x0] =	vst.idx.msk $0xffff, v39;
	v39 =	vor.u32 v53, v52  }
0x64: {  	[tilespmem:v49+s14+$0x0] =	vst.idx.msk $0xffff, v40;
	v40 =	vor.u32 v54, v52  }
0x65: {  	v48 =	vor.u32 v55, v52;
	[tilespmem:v50+s14+$0x0] =	vst.idx.msk $0xffff, v41  }
0x66: {  	v49 =	vor.u32 v12, v37;
	[tilespmem:v46+s14+$0x0] =	vst.idx.msk $0xffff, v44  }
0x67: {  	v50 =	vor.u32 v11, v37;
	[tilespmem:v56+s14+$0x0] =	vst.idx.msk $0xffff, v45  }
0x68: {  	v52 =	vor.u32 v22, v37;
	[tilespmem:v39+s14+$0x0] =	vst.idx.msk $0xffff, v47  }
0x69: {  	v3 =	vmovc v15;
	v15 =	vmov v14;
	v14 =	vmov v13;
	v41 =	vor.u32 v34, v36;
	[tilespmem:v40+s14+$0x0] =	vst.idx.msk $0xffff, v38  }
0x6a: {  	v47 =	vor.u32 v14, v37;
	[tilespmem:v48+s14+$0x0] =	vst.idx.msk $0xffff, v42  }
0x6b: {  	v56 =	vor.u32 v15, v36;
	v37 =	vld.idx.msk [tilespmem:v49+s4+$0x0], $0xffff  }
0x6c: {  	v40 =	vor.u32 v3, v36;
	v49 =	vld.idx.msk [tilespmem:v50+s4+$0x0], $0xffff  }
0x6d: {  	v36 =	vor.u32 v17, v36;
	v38 =	vor.u32 $0x1800, v43;
	v52 =	vld.idx.msk [tilespmem:v52+s4+$0x0], $0xffff  }
0x6e: {  	v44 =	vor.u32 v51, v38;
	v46 =	vld.idx.msk [tilespmem:v41+s4+$0x0], $0xffff  }
0x6f: {  	v13 =	vmov v14;
	v34 =	vor.u32 $0x1C00, v43;
	v45 =	vor.u32 v53, v38;
	v50 =	vld.idx.msk [tilespmem:v47+s4+$0x0], $0xffff  }
0x70: {  	v10 =	vmovc v22;
	v35 =	vmovc v19;
	v19 =	vmov v1;
	v14 =	vmov v15;
	v43 =	vor.u32 v54, v38;
	v47 =	vld.idx.msk [tilespmem:v56+s4+$0x0], $0xffff  }
0x71: {  	v39 =	vor.u32 v54, v34;
	v42 =	vor.u32 v51, v34;
	v48 =	vld.idx.msk [tilespmem:v40+s4+$0x0], $0xffff;
	v40 =	vor.u32 v55, v38  }
0x72: {  	s23 =	simm.s32 $0x1;
	s22 =	sadd.s32 s6, s21;
	v15 =	vmovc v3;
	v41 =	vor.u32 v53, v34;
	v38 =	vor.u32 v55, v34;
	v51 =	vld.idx.msk [tilespmem:v36+s4+$0x0], $0xffff;
	v34 =	vmov v17  }
.LBB2_4:
0x73: {  	[tilespmem:v44+s14+$0x0] =	vst.idx.msk $0xffff, v52  }
0x74: {  	s24 =	smov.u32 s23;
	[tilespmem:v45+s14+$0x0] =	vst.idx.msk $0xffff, v49  }
0x75: {  	v36 =	vadd.s32 s24, v63;
	[tilespmem:v43+s14+$0x0] =	vst.idx.msk $0xffff, v37  }
0x76: {  	v37 =	vand.u32 $0xF, v36;
	v54 =	vor.u32 v2, v36;
	[tilespmem:v40+s14+$0x0] =	vst.idx.msk $0xffff, v50  }
0x77: {  	v55 =	vor.u32 v57, v37;
	[tilespmem:v42+s14+$0x0] =	vst.idx.msk $0xffff, v47  }
0x78: {  	v0 =	vld [tilespmem:$0x1FFD0];
	v56 =	vor.u32 v61, v37;
	[tilespmem:v41+s14+$0x0] =	vst.idx.msk $0xffff, v48  }
0x79: {  	v57 =	vor.u32 v5, v37;
	[tilespmem:v39+s14+$0x0] =	vst.idx.msk $0xffff, v51  }
0x7a: {  	v53 =	vshll.u32 v36, $0x6;
	v61 =	vor.u32 v62, v37;
	[tilespmem:v38+s14+$0x0] =	vst.idx.msk $0xffff, v46  }
0x7b: {  	v62 =	vor.u32 v8, v36;
	v42 =	vand.u32 $0x40, v53;
	v38 =	vld.idx.msk [tilespmem:v54+s4+$0x0], $0xffff  }
0x7c: {  	v49 =	vor.u32 v18, v36;
	v43 =	vand.u32 $0x380, v53;
	v41 =	vor.u32 v63, v42;
	v40 =	vld.idx.msk [tilespmem:v55+s4+$0x0], $0xffff  }
0x7d: {  	v44 =	vor.u32 v0, v36;
	v50 =	vor.u32 v58, v42;
	v51 =	vor.u32 v43, v41;
	v45 =	vld.idx.msk [tilespmem:v56+s4+$0x0], $0xffff  }
0x7e: {  	v53 =	vor.u32 v43, v50;
	v46 =	vor.u32 v59, v42;
	v47 =	vld.idx.msk [tilespmem:v57+s4+$0x0], $0xffff  }
0x7f: {  	v56 =	vor.u32 v60, v42;
	v42 =	vld.idx.msk [tilespmem:v61+s4+$0x0], $0xffff;
	v48 =	vor.u32 v43, v46  }
0x80: {  	v63 =	vor.u32 $0x400, v43;
	v39 =	vld.idx.msk [tilespmem:v62+s4+$0x0], $0xffff;
	v58 =	vor.u32 v43, v56  }
0x81: {  	v54 =	vor.u32 v41, v63;
	v49 =	vld.idx.msk [tilespmem:v49+s4+$0x0], $0xffff  }
0x82: {  	v55 =	vor.u32 v50, v63;
	v44 =	vld.idx.msk [tilespmem:v44+s4+$0x0], $0xffff;
	[tilespmem:v51+s14+$0x0] =	vst.idx.msk $0xffff, v40  }
0x83: {  	v57 =	vor.u32 v46, v63;
	[tilespmem:v53+s14+$0x0] =	vst.idx.msk $0xffff, v45  }
0x84: {  	v52 =	vor.u32 v56, v63;
	[tilespmem:v48+s14+$0x0] =	vst.idx.msk $0xffff, v42  }
0x85: {  	v21 =	vmovc v4;
	v25 =	vmov v16;
	v59 =	vor.u32 $0x800, v43;
	v42 =	vor.u32 v27, v37;
	[tilespmem:v58+s14+$0x0] =	vst.idx.msk $0xffff, v47  }
0x86: {  	v22 =	vmov v26;
	v60 =	vor.u32 v41, v59;
	[tilespmem:v54+s14+$0x0] =	vst.idx.msk $0xffff, v38;
	v38 =	vor.u32 v26, v37  }
0x87: {  	v23 =	vmov v27;
	v61 =	vor.u32 v50, v59;
	[tilespmem:v55+s14+$0x0] =	vst.idx.msk $0xffff, v49;
	v49 =	vor.u32 v4, v37  }
0x88: {  	v3 =	vor.u32 $0x1C00, v43;
	v62 =	vor.u32 v56, v59;
	v55 =	vor.u32 v9, v37;
	[tilespmem:v57+s14+$0x0] =	vst.idx.msk $0xffff, v44  }
0x89: {  	v59 =	vor.u32 v46, v59;
	v63 =	vor.u32 $0xC00, v43;
	[tilespmem:v52+s14+$0x0] =	vst.idx.msk $0xffff, v39;
	v52 =	vor.u32 v16, v36  }
0x8a: {  	v0 =	vor.u32 $0x1000, v43;
	v51 =	vor.u32 v41, v63;
	v16 =	vmovc v5;
	v5 =	vor.u32 v20, v36;
	v4 =	vld.idx.msk [tilespmem:v42+s4+$0x0], $0xffff  }
0x8b: {  	v40 =	vor.u32 $0x1400, v43;
	v45 =	vor.u32 $0x1800, v43;
	v26 =	vmovc v20;
	v20 =	vmovc v8;
	v8 =	vor.u32 v24, v36;
	v7 =	vld.idx.msk [tilespmem:v38+s4+$0x0], $0xffff  }
0x8c: {  	v48 =	vor.u32 v41, v0;
	v27 =	vmovc v24;
	v24 =	vmov v9;
	v9 =	vor.u32 v28, v36;
	v49 =	vld.idx.msk [tilespmem:v49+s4+$0x0], $0xffff  }
0x8d: {  	v54 =	vor.u32 v41, v40;
	v44 =	vor.u32 v41, v45;
	v39 =	vor.u32 v46, v3;
	v55 =	vld.idx.msk [tilespmem:v55+s4+$0x0], $0xffff  }
0x8e: {  	v42 =	vor.u32 v41, v3;
	v41 =	vor.u32 v50, v3;
	v38 =	vor.u32 v56, v3;
	v3 =	vld.idx.msk [tilespmem:v52+s4+$0x0], $0xffff  }
0x8f: {  	v5 =	vld.idx.msk [tilespmem:v5+s4+$0x0], $0xffff  }
0x90: {  	v8 =	vld.idx.msk [tilespmem:v8+s4+$0x0], $0xffff  }
0x91: {  	v1 =	vor.u32 v50, v63;
	v9 =	vld.idx.msk [tilespmem:v9+s4+$0x0], $0xffff;
	[tilespmem:v60+s14+$0x0] =	vst.idx.msk $0xffff, v49  }
0x92: {  	v53 =	vor.u32 v46, v63;
	[tilespmem:v61+s14+$0x0] =	vst.idx.msk $0xffff, v7  }
0x93: {  	v63 =	vor.u32 v56, v63;
	[tilespmem:v59+s14+$0x0] =	vst.idx.msk $0xffff, v4  }
0x94: {  	v6 =	vor.u32 v56, v40;
	v4 =	vor.u32 v31, v37;
	[tilespmem:v62+s14+$0x0] =	vst.idx.msk $0xffff, v55  }
0x95: {  	v47 =	vor.u32 v56, v0;
	v7 =	vor.u32 v33, v36;
	[tilespmem:v51+s14+$0x0] =	vst.idx.msk $0xffff, v3  }
0x96: {  	v58 =	vor.u32 v46, v40;
	[tilespmem:v1+s14+$0x0] =	vst.idx.msk $0xffff, v5;
	v1 =	vor.u32 v35, v37;
	v5 =	vld [tilespmem:$0x1FFE0]  }
0x97: {  	v57 =	vor.u32 v50, v40;
	v3 =	vor.u32 v30, v37;
	[tilespmem:v53+s14+$0x0] =	vst.idx.msk $0xffff, v8  }
0x98: {  	v40 =	vor.u32 v56, v45;
	v56 =	vor.u32 v32, v36;
	[tilespmem:v63+s14+$0x0] =	vst.idx.msk $0xffff, v9  }
0x99: {  	v8 =	vor.u32 v19, v37;
	v4 =	vld.idx.msk [tilespmem:v4+s4+$0x0], $0xffff  }
0x9a: {  	v9 =	vor.u32 v29, v36;
	v7 =	vld.idx.msk [tilespmem:v7+s4+$0x0], $0xffff  }
0x9b: {  	v5 =	vor.u32 v5, v36;
	v1 =	vld.idx.msk [tilespmem:v1+s4+$0x0], $0xffff  }
0x9c: {  	v17 =	vmov v2;
	v2 =	vor.u32 v50, v0;
	v3 =	vld.idx.msk [tilespmem:v3+s4+$0x0], $0xffff  }
0x9d: {  	v43 =	vor.u32 v46, v45;
	v0 =	vor.u32 v46, v0;
	v46 =	vld.idx.msk [tilespmem:v56+s4+$0x0], $0xffff  }
0x9e: {  	v8 =	vld.idx.msk [tilespmem:v8+s4+$0x0], $0xffff  }
0x9f: {  	v9 =	vld.idx.msk [tilespmem:v9+s4+$0x0], $0xffff  }
0xa0: {  	v5 =	vld.idx.msk [tilespmem:v5+s4+$0x0], $0xffff;
	[tilespmem:v48+s14+$0x0] =	vst.idx.msk $0xffff, v1  }
0xa1: {  	[tilespmem:v2+s14+$0x0] =	vst.idx.msk $0xffff, v3  }
0xa2: {  	[tilespmem:v0+s14+$0x0] =	vst.idx.msk $0xffff, v4  }
0xa3: {  	v2 =	vor.u32 v11, v37;
	[tilespmem:v47+s14+$0x0] =	vst.idx.msk $0xffff, v8  }
0xa4: {  	[tilespmem:v54+s14+$0x0] =	vst.idx.msk $0xffff, v9  }
0xa5: {  	v60 =	vld [tilespmem:$0x1FF70];
	[tilespmem:v57+s14+$0x0] =	vst.idx.msk $0xffff, v46  }
0xa6: {  	v61 =	vld [tilespmem:$0x1FF80];
	[tilespmem:v58+s14+$0x0] =	vst.idx.msk $0xffff, v7  }
0xa7: {  	v59 =	vld [tilespmem:$0x1FF60];
	v0 =	vor.u32 v12, v37;
	[tilespmem:v6+s14+$0x0] =	vst.idx.msk $0xffff, v5  }
0xa8: {  	v1 =	vor.u32 v10, v37;
	v49 =	vld.idx.msk [tilespmem:v2+s4+$0x0], $0xffff  }
0xa9: {  	v2 =	vld [tilespmem:$0x1FFF0]  }
0xaa: {  	v62 =	vld [tilespmem:$0x1FF90];
	v3 =	vor.u32 v13, v37  }
0xab: {  	v4 =	vor.u32 v14, v36;
	v57 =	vld [tilespmem:$0x1FF40]  }
0xac: {  	v37 =	vld.idx.msk [tilespmem:v0+s4+$0x0], $0xffff;
	v0 =	vor.u32 v15, v36  }
0xad: {  	v52 =	vld.idx.msk [tilespmem:v1+s4+$0x0], $0xffff;
	v1 =	vor.u32 v34, v36  }
0xae: {  	p2 =	sne.s32 s23, $0xF;
	v58 =	vld [tilespmem:$0x1FF50];
	v2 =	vor.u32 v2, v36  }
.Ltmp5:
0xaf: {  	v45 =	vor.u32 v50, v45;
	v50 =	vld.idx.msk [tilespmem:v3+s4+$0x0], $0xffff;
	(pc) =	sbr.rel @p2 .LBB2_4-.Ltmp5, $4  }
0xb0: {  	v47 =	vld.idx.msk [tilespmem:v4+s4+$0x0], $0xffff  }
0xb1: {  	v63 =	vlaneseq.u32;
	v48 =	vld.idx.msk [tilespmem:v0+s4+$0x0], $0xffff  }
0xb2: {  	v8 =	vmovc v20;
	v20 =	vmovc v26;
	v26 =	vmov v22;
	v9 =	vmov v24;
	v24 =	vmov v27;
	v51 =	vld.idx.msk [tilespmem:v1+s4+$0x0], $0xffff  }
0xb3: {  	s23 =	sadd.s32 $0x1, s23;
	v27 =	vmovc v23;
	v5 =	vmovc v16;
	v16 =	vmov v25;
	v4 =	vmov v21;
	v46 =	vld.idx.msk [tilespmem:v2+s4+$0x0], $0xffff;
	v2 =	vmov v17  }
0xb4: {  	_ =	sdelay $0x3  }
0xb5: {  	[tilespmem:v44+s14+$0x0] =	vst.idx.msk $0xffff, v52  }
0xb6: {  	[tilespmem:v45+s14+$0x0] =	vst.idx.msk $0xffff, v49  }
0xb7: {  	[tilespmem:v43+s14+$0x0] =	vst.idx.msk $0xffff, v37  }
0xb8: {  	[tilespmem:v40+s14+$0x0] =	vst.idx.msk $0xffff, v50  }
0xb9: {  	[tilespmem:v42+s14+$0x0] =	vst.idx.msk $0xffff, v47  }
0xba: {  	s22 =	sshll.u32 s22, $0xA;
	[tilespmem:v41+s14+$0x0] =	vst.idx.msk $0xffff, v48  }
0xbb: {  	v53 =	vmov v18;
	v18 =	vld [tilespmem:$0x1FFD0];
	s22 =	sand.u32 $0x1FFFFC00, s22;
	[tilespmem:v39+s14+$0x0] =	vst.idx.msk $0xffff, v51  }
0xbc: {  	v55 =	vmov v35;
	v35 =	vld [tilespmem:$0x1FFE0];
	s22 =	sadd.s32 s3, s22;
	[tilespmem:v38+s14+$0x0] =	vst.idx.msk $0xffff, v46  }
0xbd: {  	v17 =	vmov v34;
	v34 =	vld [tilespmem:$0x1FFF0];
	[hbm4b:s22+s4] =	stream.linear.scatter [tilespmem:s14], [sflag:$0x3], $0x2000, $0x38  }
.LBB2_6:
0xbe: {  	p2 =	sge.u32 s20, s7  }
.Ltmp6:
0xbf: {  	_ = 	snop;
	(pc) =	sbr.rel @p2 .LBB2_10-.Ltmp6, $1  }
0xc0: {  	_ =	sdelay $0x3  }
0xc1: {  	s21 =	sadd.s32 $0x2, s21  }
0xc2: {  	p2 =	sge.u32 s21, s7  }
0xc3: {  	_ =	swait.ge [sflag:s15], $0x2000;
	s21 =	sadd.s32 @!p2 s6, s21  }
0xc4: {  	s25 =	simm.s32 $0x0;
	[sflag:s15] =	ssyncset.done $0x0;
	s21 =	sshll.u32 @!p2 s21, $0x7  }
0xc5: {  	[sflag:s15] =	ssyncadd.s32 $0xFFFFE000;
	s22 =	simm.s32 @!p2 $0x400;
	s21 =	sand.u32 @!p2 $0x1FFFFF80, s21  }
0xc6: {  	s23 =	simm.s32 @!p2 $0xC3800;
	s24 =	simm.s32 @!p2 $0x0;
	s21 =	sadd.s32 @!p2 s0, s21  }
0xc7: {  	v0 =	vadd.s32 s25, v63;
	[tilespmem:s24], [sflag:$0x1] =	stream.strided.gather @!p2 [hbm4b:s21+s22], $0x2000, s23, s22, $0x38;
	[tilespmem:$0x8000] =	vst v63  }
0xc8: {  	v1 =	vand.u32 $0xF, v0;
	v2 =	vor.u32 v2, v0;
	p2 =	seq.s32 s19, $0x0  }
0xc9: {  	v3 =	vor.u32 v57, v1;
	s21 =	simm.s32 @!p2 $0x4  }
0xca: {  	v52 =	vor.u32 v61, v1;
	_ =	swait.ge @!p2 [sflag:s21], $0x2000  }
0xcb: {  	v5 =	vor.u32 v5, v1;
	[sflag:s21] =	ssyncset.done @!p2 $0x0  }
0xcc: {  	v7 =	vshll.u32 v0, $0x6;
	v6 =	vor.u32 v62, v1;
	[sflag:s21] =	ssyncadd.s32 @!p2 $0xFFFFE000  }
0xcd: {  	v23 =	vmov v9;
	v8 =	vor.u32 v8, v0;
	v9 =	vand.u32 $0x40, v7;
	v2 =	vld.idx.msk [tilespmem:v2+s16+$0x0], $0xffff  }
0xce: {  	v25 =	vmovc v4;
	v36 =	vor.u32 v53, v0;
	v7 =	vand.u32 $0x380, v7;
	v38 =	vor.u32 v63, v9;
	v3 =	vld.idx.msk [tilespmem:v3+s16+$0x0], $0xffff  }
0xcf: {  	v37 =	vor.u32 v18, v0;
	v39 =	vor.u32 v58, v9;
	v40 =	vor.u32 v7, v38;
	v4 =	vld.idx.msk [tilespmem:v52+s16+$0x0], $0xffff  }
0xd0: {  	v51 =	vor.u32 v59, v9;
	v41 =	vor.u32 v7, v39;
	v5 =	vld.idx.msk [tilespmem:v5+s16+$0x0], $0xffff  }
0xd1: {  	v9 =	vor.u32 v60, v9;
	v42 =	vor.u32 v7, v51;
	v6 =	vld.idx.msk [tilespmem:v6+s16+$0x0], $0xffff  }
0xd2: {  	v43 =	vor.u32 $0x400, v7;
	v44 =	vor.u32 v7, v9;
	v8 =	vld.idx.msk [tilespmem:v8+s16+$0x0], $0xffff  }
0xd3: {  	v45 =	vor.u32 v38, v43;
	v36 =	vld.idx.msk [tilespmem:v36+s16+$0x0], $0xffff  }
0xd4: {  	v54 =	vor.u32 v39, v43;
	v37 =	vld.idx.msk [tilespmem:v37+s16+$0x0], $0xffff;
	[tilespmem:v40+s17+$0x0] =	vst.idx.msk $0xffff, v3  }
0xd5: {  	v56 =	vor.u32 v51, v43;
	[tilespmem:v41+s17+$0x0] =	vst.idx.msk $0xffff, v4  }
0xd6: {  	v46 =	vor.u32 v9, v43;
	[tilespmem:v42+s17+$0x0] =	vst.idx.msk $0xffff, v6  }
0xd7: {  	v47 =	vor.u32 v27, v1;
	[tilespmem:v44+s17+$0x0] =	vst.idx.msk $0xffff, v5  }
0xd8: {  	v48 =	vor.u32 v26, v1;
	[tilespmem:v45+s17+$0x0] =	vst.idx.msk $0xffff, v2  }
0xd9: {  	v49 =	vor.u32 v25, v1;
	[tilespmem:v54+s17+$0x0] =	vst.idx.msk $0xffff, v36  }
0xda: {  	v50 =	vor.u32 v23, v1;
	[tilespmem:v56+s17+$0x0] =	vst.idx.msk $0xffff, v37  }
0xdb: {  	v52 =	vor.u32 v16, v0;
	[tilespmem:v46+s17+$0x0] =	vst.idx.msk $0xffff, v8  }
0xdc: {  	v36 =	vor.u32 v24, v0;
	v5 =	vld.idx.msk [tilespmem:v47+s16+$0x0], $0xffff  }
0xdd: {  	v54 =	vor.u32 $0x800, v7;
	v56 =	vor.u32 v28, v0;
	v2 =	vld.idx.msk [tilespmem:v48+s16+$0x0], $0xffff  }
0xde: {  	v8 =	vor.u32 v20, v0;
	v3 =	vld.idx.msk [tilespmem:v49+s16+$0x0], $0xffff;
	v48 =	vor.u32 v38, v54  }
0xdf: {  	v6 =	vld.idx.msk [tilespmem:v50+s16+$0x0], $0xffff;
	v49 =	vor.u32 v39, v54  }
0xe0: {  	v4 =	vld.idx.msk [tilespmem:v52+s16+$0x0], $0xffff;
	v50 =	vor.u32 v51, v54  }
0xe1: {  	v37 =	vor.u32 v9, v54;
	v52 =	vor.u32 $0xC00, v7;
	v36 =	vld.idx.msk [tilespmem:v36+s16+$0x0], $0xffff  }
0xe2: {  	v54 =	vor.u32 v38, v52;
	v40 =	vld.idx.msk [tilespmem:v56+s16+$0x0], $0xffff  }
0xe3: {  	v56 =	vor.u32 v39, v52;
	v8 =	vld.idx.msk [tilespmem:v8+s16+$0x0], $0xffff;
	[tilespmem:v48+s17+$0x0] =	vst.idx.msk $0xffff, v3  }
0xe4: {  	v46 =	vor.u32 v51, v52;
	[tilespmem:v49+s17+$0x0] =	vst.idx.msk $0xffff, v2  }
0xe5: {  	v21 =	vmov v31;
	v47 =	vor.u32 v9, v52;
	[tilespmem:v50+s17+$0x0] =	vst.idx.msk $0xffff, v5  }
0xe6: {  	v48 =	vor.u32 v21, v1;
	[tilespmem:v37+s17+$0x0] =	vst.idx.msk $0xffff, v6  }
0xe7: {  	v49 =	vor.u32 v30, v1;
	[tilespmem:v54+s17+$0x0] =	vst.idx.msk $0xffff, v4  }
0xe8: {  	v50 =	vor.u32 v55, v1;
	[tilespmem:v56+s17+$0x0] =	vst.idx.msk $0xffff, v8  }
0xe9: {  	v52 =	vor.u32 v35, v0;
	[tilespmem:v46+s17+$0x0] =	vst.idx.msk $0xffff, v36  }
0xea: {  	v54 =	vor.u32 v33, v0;
	[tilespmem:v47+s17+$0x0] =	vst.idx.msk $0xffff, v40  }
0xeb: {  	v8 =	vor.u32 v19, v1;
	v5 =	vld.idx.msk [tilespmem:v48+s16+$0x0], $0xffff  }
0xec: {  	v56 =	vor.u32 $0x1000, v7;
	v36 =	vor.u32 v29, v0;
	v4 =	vld.idx.msk [tilespmem:v49+s16+$0x0], $0xffff  }
0xed: {  	v3 =	vld.idx.msk [tilespmem:v50+s16+$0x0], $0xffff;
	v48 =	vor.u32 v32, v0;
	v49 =	vor.u32 v38, v56  }
0xee: {  	v6 =	vld.idx.msk [tilespmem:v52+s16+$0x0], $0xffff;
	v50 =	vor.u32 v39, v56  }
0xef: {  	v52 =	vor.u32 v51, v56;
	v2 =	vld.idx.msk [tilespmem:v54+s16+$0x0], $0xffff  }
0xf0: {  	v37 =	vor.u32 v9, v56;
	v54 =	vor.u32 $0x1400, v7;
	v8 =	vld.idx.msk [tilespmem:v8+s16+$0x0], $0xffff  }
0xf1: {  	v56 =	vor.u32 v38, v54;
	v36 =	vld.idx.msk [tilespmem:v36+s16+$0x0], $0xffff  }
0xf2: {  	v40 =	vld.idx.msk [tilespmem:v48+s16+$0x0], $0xffff;
	[tilespmem:v49+s17+$0x0] =	vst.idx.msk $0xffff, v3;
	v48 =	vor.u32 v39, v54  }
0xf3: {  	v49 =	vor.u32 v51, v54;
	[tilespmem:v50+s17+$0x0] =	vst.idx.msk $0xffff, v4  }
0xf4: {  	v50 =	vor.u32 v9, v54;
	[tilespmem:v52+s17+$0x0] =	vst.idx.msk $0xffff, v5  }
0xf5: {  	[tilespmem:v37+s17+$0x0] =	vst.idx.msk $0xffff, v8;
	v8 =	vor.u32 v12, v1  }
0xf6: {  	v52 =	vor.u32 v11, v1;
	[tilespmem:v56+s17+$0x0] =	vst.idx.msk $0xffff, v36  }
0xf7: {  	v54 =	vor.u32 v10, v1;
	[tilespmem:v48+s17+$0x0] =	vst.idx.msk $0xffff, v40  }
0xf8: {  	v1 =	vor.u32 v13, v1;
	[tilespmem:v49+s17+$0x0] =	vst.idx.msk $0xffff, v2  }
0xf9: {  	v3 =	vor.u32 v15, v0;
	[tilespmem:v50+s17+$0x0] =	vst.idx.msk $0xffff, v6  }
0xfa: {  	v56 =	vor.u32 v14, v0;
	v37 =	vld.idx.msk [tilespmem:v8+s16+$0x0], $0xffff  }
0xfb: {  	v36 =	vor.u32 v34, v0;
	v49 =	vld.idx.msk [tilespmem:v52+s16+$0x0], $0xffff  }
0xfc: {  	v0 =	vor.u32 v17, v0;
	v52 =	vld.idx.msk [tilespmem:v54+s16+$0x0], $0xffff  }
0xfd: {  	v50 =	vld.idx.msk [tilespmem:v1+s16+$0x0], $0xffff  }
0xfe: {  	v22 =	vmovc v25;
	v31 =	vmov v21;
	v25 =	vmov v28;
	v54 =	vor.u32 $0x1800, v7;
	v48 =	vld.idx.msk [tilespmem:v3+s16+$0x0], $0xffff  }
0xff: {  	v21 =	vmovc v30;
	v47 =	vld.idx.msk [tilespmem:v56+s16+$0x0], $0xffff;
	v56 =	vor.u32 $0x1C00, v7;
	v44 =	vor.u32 v38, v54;
	v43 =	vor.u32 v51, v54  }
0x100: {  	v40 =	vor.u32 v9, v54;
	v45 =	vor.u32 v39, v54;
	v46 =	vld.idx.msk [tilespmem:v36+s16+$0x0], $0xffff;
	v42 =	vor.u32 v38, v56  }
0x101: {  	s20 =	sadd.s32 s6, s20;
	s21 =	simm.s32 $0x1;
	v41 =	vor.u32 v39, v56;
	v39 =	vor.u32 v51, v56;
	v38 =	vor.u32 v9, v56;
	v51 =	vld.idx.msk [tilespmem:v0+s16+$0x0], $0xffff  }
.LBB2_8:
0x102: {  	v1 =	vld [tilespmem:$0x1FFA0];
	_ =	sdelay $0x1  }
0x103: {  	[tilespmem:v44+s17+$0x0] =	vst.idx.msk $0xffff, v52  }
0x104: {  	s22 =	smov.u32 s21;
	v5 =	vld [tilespmem:$0x1FFB0];
	[tilespmem:v45+s17+$0x0] =	vst.idx.msk $0xffff, v49  }
0x105: {  	v36 =	vadd.s32 s22, v63;
	[tilespmem:v43+s17+$0x0] =	vst.idx.msk $0xffff, v37  }
0x106: {  	v9 =	vld [tilespmem:$0x1FFC0];
	v1 =	vor.u32 v1, v36;
	v37 =	vand.u32 $0xF, v36;
	[tilespmem:v40+s17+$0x0] =	vst.idx.msk $0xffff, v50  }
0x107: {  	v2 =	vor.u32 v57, v37;
	[tilespmem:v42+s17+$0x0] =	vst.idx.msk $0xffff, v47  }
0x108: {  	v3 =	vor.u32 v61, v37;
	[tilespmem:v41+s17+$0x0] =	vst.idx.msk $0xffff, v48  }
0x109: {  	v30 =	vmovc v34;
	v34 =	vmov v32;
	v28 =	vmov v17;
	v5 =	vor.u32 v5, v37;
	[tilespmem:v39+s17+$0x0] =	vst.idx.msk $0xffff, v51  }
0x10a: {  	v17 =	vmovc v15;
	v15 =	vmov v14;
	v0 =	vshll.u32 v36, $0x6;
	v8 =	vor.u32 v62, v37;
	[tilespmem:v38+s17+$0x0] =	vst.idx.msk $0xffff, v46  }
0x10b: {  	v14 =	vmovc v13;
	v13 =	vmovc v12;
	v12 =	vmov v11;
	v4 =	vand.u32 $0x40, v0;
	v9 =	vor.u32 v9, v36;
	v1 =	vld.idx.msk [tilespmem:v1+s16+$0x0], $0xffff  }
0x10c: {  	v11 =	vmovc v10;
	v6 =	vor.u32 v53, v36;
	v0 =	vand.u32 $0x380, v0;
	v7 =	vor.u32 v63, v4;
	v2 =	vld.idx.msk [tilespmem:v2+s16+$0x0], $0xffff  }
0x10d: {  	v56 =	vor.u32 v18, v36;
	v57 =	vor.u32 v0, v7;
	v41 =	vor.u32 v58, v4;
	v3 =	vld.idx.msk [tilespmem:v3+s16+$0x0], $0xffff  }
0x10e: {  	v10 =	vmovc v35;
	v35 =	vmov v33;
	v38 =	vor.u32 v59, v4;
	v59 =	vor.u32 v0, v41;
	v5 =	vld.idx.msk [tilespmem:v5+s16+$0x0], $0xffff  }
0x10f: {  	v33 =	vmovc v29;
	v61 =	vor.u32 $0xC00, v0;
	v4 =	vor.u32 v60, v4;
	v8 =	vld.idx.msk [tilespmem:v8+s16+$0x0], $0xffff;
	v46 =	vor.u32 v0, v38  }
0x110: {  	v29 =	vmovc v55;
	v43 =	vor.u32 v27, v37;
	v58 =	vor.u32 $0x400, v0;
	v9 =	vld.idx.msk [tilespmem:v9+s16+$0x0], $0xffff;
	v48 =	vor.u32 v0, v4  }
0x111: {  	v44 =	vor.u32 v7, v58;
	v45 =	vor.u32 v41, v58;
	v55 =	vor.u32 v41, v61;
	v6 =	vld.idx.msk [tilespmem:v6+s16+$0x0], $0xffff  }
0x112: {  	v32 =	vmov v19;
	v60 =	vor.u32 $0x800, v0;
	v47 =	vor.u32 v38, v58;
	v39 =	vld.idx.msk [tilespmem:v56+s16+$0x0], $0xffff;
	[tilespmem:v57+s17+$0x0] =	vst.idx.msk $0xffff, v2  }
0x113: {  	v19 =	vmov v18;
	v42 =	vor.u32 v4, v58;
	v50 =	vor.u32 v7, v60;
	[tilespmem:v59+s17+$0x0] =	vst.idx.msk $0xffff, v3  }
0x114: {  	v18 =	vmov v53;
	v51 =	vor.u32 v41, v60;
	v52 =	vor.u32 v4, v60;
	[tilespmem:v46+s17+$0x0] =	vst.idx.msk $0xffff, v8  }
0x115: {  	v62 =	vor.u32 $0x1400, v0;
	v49 =	vor.u32 v38, v60;
	v53 =	vor.u32 v4, v61;
	[tilespmem:v48+s17+$0x0] =	vst.idx.msk $0xffff, v5  }
0x116: {  	v58 =	vor.u32 v38, v62;
	[tilespmem:v44+s17+$0x0] =	vst.idx.msk $0xffff, v1;
	v1 =	vor.u32 v26, v37  }
0x117: {  	v56 =	vor.u32 $0x1800, v0;
	v60 =	vor.u32 v4, v62;
	[tilespmem:v45+s17+$0x0] =	vst.idx.msk $0xffff, v6;
	v6 =	vor.u32 v22, v37  }
0x118: {  	v54 =	vor.u32 $0x1000, v0;
	v40 =	vor.u32 v4, v56;
	[tilespmem:v47+s17+$0x0] =	vst.idx.msk $0xffff, v39;
	v39 =	vor.u32 v23, v37  }
0x119: {  	v0 =	vor.u32 $0x1C00, v0;
	v2 =	vor.u32 v7, v61;
	v59 =	vor.u32 v20, v36;
	[tilespmem:v42+s17+$0x0] =	vst.idx.msk $0xffff, v9  }
0x11a: {  	v57 =	vor.u32 v7, v62;
	v47 =	vor.u32 v41, v62;
	v62 =	vor.u32 v25, v36;
	v5 =	vld.idx.msk [tilespmem:v43+s16+$0x0], $0xffff  }
0x11b: {  	v3 =	vor.u32 v38, v61;
	v61 =	vor.u32 v24, v36;
	v9 =	vor.u32 v16, v36;
	v1 =	vld.idx.msk [tilespmem:v1+s16+$0x0], $0xffff  }
0x11c: {  	v8 =	vor.u32 v7, v54;
	v46 =	vor.u32 v41, v54;
	v48 =	vor.u32 v4, v54;
	v6 =	vld.idx.msk [tilespmem:v6+s16+$0x0], $0xffff  }
0x11d: {  	v54 =	vor.u32 v38, v54;
	v44 =	vor.u32 v7, v56;
	v42 =	vor.u32 v7, v0;
	v7 =	vld.idx.msk [tilespmem:v39+s16+$0x0], $0xffff  }
0x11e: {  	v43 =	vor.u32 v38, v56;
	v39 =	vor.u32 v38, v0;
	v38 =	vor.u32 v4, v0;
	v4 =	vld.idx.msk [tilespmem:v59+s16+$0x0], $0xffff  }
0x11f: {  	v45 =	vor.u32 v41, v56;
	v56 =	vld.idx.msk [tilespmem:v62+s16+$0x0], $0xffff  }
0x120: {  	v41 =	vor.u32 v41, v0;
	v0 =	vld.idx.msk [tilespmem:v9+s16+$0x0], $0xffff  }
0x121: {  	v9 =	vld.idx.msk [tilespmem:v61+s16+$0x0], $0xffff;
	[tilespmem:v50+s17+$0x0] =	vst.idx.msk $0xffff, v6  }
0x122: {  	[tilespmem:v51+s17+$0x0] =	vst.idx.msk $0xffff, v1  }
0x123: {  	[tilespmem:v49+s17+$0x0] =	vst.idx.msk $0xffff, v5  }
0x124: {  	[tilespmem:v52+s17+$0x0] =	vst.idx.msk $0xffff, v7  }
0x125: {  	v1 =	vor.u32 v31, v37;
	[tilespmem:v2+s17+$0x0] =	vst.idx.msk $0xffff, v0  }
0x126: {  	v49 =	vor.u32 v21, v37;
	[tilespmem:v55+s17+$0x0] =	vst.idx.msk $0xffff, v4;
	v55 =	vmov v29  }
0x127: {  	v29 =	vmovc v33;
	v33 =	vmov v35;
	v35 =	vmov v10;
	v50 =	vor.u32 v55, v37  }
0x128: {  	[tilespmem:v3+s17+$0x0] =	vst.idx.msk $0xffff, v9;
	v3 =	vor.u32 v35, v36  }
0x129: {  	v52 =	vor.u32 v33, v36;
	[tilespmem:v53+s17+$0x0] =	vst.idx.msk $0xffff, v56;
	v53 =	vmovc v18;
	v18 =	vmov v19;
	v19 =	vmov v32  }
0x12a: {  	v1 =	vld.idx.msk [tilespmem:v1+s16+$0x0], $0xffff;
	v56 =	vor.u32 v19, v37  }
0x12b: {  	v32 =	vmov v34;
	v0 =	vld.idx.msk [tilespmem:v49+s16+$0x0], $0xffff;
	v49 =	vor.u32 v29, v36  }
0x12c: {  	v2 =	vld.idx.msk [tilespmem:v50+s16+$0x0], $0xffff;
	v50 =	vor.u32 v32, v36  }
0x12d: {  	v3 =	vld.idx.msk [tilespmem:v3+s16+$0x0], $0xffff  }
0x12e: {  	v4 =	vld.idx.msk [tilespmem:v52+s16+$0x0], $0xffff  }
0x12f: {  	v5 =	vld.idx.msk [tilespmem:v56+s16+$0x0], $0xffff  }
0x130: {  	v6 =	vld.idx.msk [tilespmem:v49+s16+$0x0], $0xffff  }
0x131: {  	v7 =	vld.idx.msk [tilespmem:v50+s16+$0x0], $0xffff;
	[tilespmem:v8+s17+$0x0] =	vst.idx.msk $0xffff, v2  }
0x132: {  	[tilespmem:v46+s17+$0x0] =	vst.idx.msk $0xffff, v0  }
0x133: {  	v59 =	vld [tilespmem:$0x1FF60];
	v10 =	vmov v11;
	v11 =	vmov v12;
	v12 =	vmov v13;
	[tilespmem:v54+s17+$0x0] =	vst.idx.msk $0xffff, v1  }
0x134: {  	v62 =	vld [tilespmem:$0x1FF90];
	v51 =	vor.u32 v12, v37;
	[tilespmem:v48+s17+$0x0] =	vst.idx.msk $0xffff, v5  }
0x135: {  	v61 =	vld [tilespmem:$0x1FF80];
	v54 =	vor.u32 v11, v37;
	[tilespmem:v57+s17+$0x0] =	vst.idx.msk $0xffff, v6  }
0x136: {  	v13 =	vmov v14;
	v52 =	vor.u32 v10, v37;
	v57 =	vld [tilespmem:$0x1FF40];
	[tilespmem:v47+s17+$0x0] =	vst.idx.msk $0xffff, v7  }
0x137: {  	v46 =	vor.u32 v13, v37;
	[tilespmem:v58+s17+$0x0] =	vst.idx.msk $0xffff, v4;
	v58 =	vld [tilespmem:$0x1FF50]  }
0x138: {  	v14 =	vmov v15;
	v15 =	vmov v17;
	v56 =	vor.u32 v28, v36;
	[tilespmem:v60+s17+$0x0] =	vst.idx.msk $0xffff, v3;
	v60 =	vld [tilespmem:$0x1FF70]  }
0x139: {  	v6 =	vor.u32 v15, v36;
	v37 =	vld.idx.msk [tilespmem:v51+s16+$0x0], $0xffff  }
0x13a: {  	v47 =	vor.u32 v14, v36;
	v49 =	vld.idx.msk [tilespmem:v54+s16+$0x0], $0xffff  }
0x13b: {  	p2 =	sne.s32 s21, $0xF;
	v7 =	vor.u32 v30, v36;
	v52 =	vld.idx.msk [tilespmem:v52+s16+$0x0], $0xffff  }
.Ltmp7:
0x13c: {  	v50 =	vld.idx.msk [tilespmem:v46+s16+$0x0], $0xffff;
	(pc) =	sbr.rel @p2 .LBB2_8-.Ltmp7, $4  }
0x13d: {  	v51 =	vld.idx.msk [tilespmem:v56+s16+$0x0], $0xffff  }
0x13e: {  	v48 =	vld.idx.msk [tilespmem:v6+s16+$0x0], $0xffff  }
0x13f: {  	v47 =	vld.idx.msk [tilespmem:v47+s16+$0x0], $0xffff  }
0x140: {  	s21 =	sadd.s32 $0x1, s21;
	v17 =	vmov v28;
	v34 =	vmov v30;
	v46 =	vld.idx.msk [tilespmem:v7+s16+$0x0], $0xffff  }
0x141: {  	_ =	sdelay $0x3  }
0x142: {  	[tilespmem:v44+s17+$0x0] =	vst.idx.msk $0xffff, v52  }
0x143: {  	[tilespmem:v45+s17+$0x0] =	vst.idx.msk $0xffff, v49  }
0x144: {  	[tilespmem:v43+s17+$0x0] =	vst.idx.msk $0xffff, v37  }
0x145: {  	[tilespmem:v40+s17+$0x0] =	vst.idx.msk $0xffff, v50  }
.Ltmp8:
0x146: {  	[tilespmem:v42+s17+$0x0] =	vst.idx.msk $0xffff, v47;
	(pc) =	sbr.rel .LBB2_10-.Ltmp8, $4  }
0x147: {  	s20 =	sshll.u32 s20, $0xA;
	[tilespmem:v41+s17+$0x0] =	vst.idx.msk $0xffff, v48  }
0x148: {  	v5 =	vld [tilespmem:$0x1FFB0];
	s20 =	sand.u32 $0x1FFFFC00, s20;
	[tilespmem:v39+s17+$0x0] =	vst.idx.msk $0xffff, v51  }
0x149: {  	v2 =	vld [tilespmem:$0x1FFA0];
	s20 =	sadd.s32 s3, s20;
	[tilespmem:v38+s17+$0x0] =	vst.idx.msk $0xffff, v46  }
0x14a: {  	v8 =	vld [tilespmem:$0x1FFC0];
	v4 =	vmovc v22;
	v9 =	vmov v23;
	v28 =	vmov v25;
	v30 =	vmov v21;
	[hbm4b:s20+s4] =	stream.linear.scatter [tilespmem:s17], [sflag:$0x4], $0x2000, $0x38  }
.LBB2_12:
0x14b: {  	_ =	sfence.sel $0x180000  }
0x14c: {  	[bflag:$0x0] =	sbarrier.arrive $0xFFFF  }
0x14d: {  	p0 =	sne.s32 s1, $0x0;
	_ =	strace $0x90000047  }
0x14e: {  	s0 =	sadd.s32 @!p0 $0x100000, s2;
	[bflag:$0x2] =	sbarrier.arrive $0xFFFF  }
0x14f: {  	[sflag:s0] =	ssyncadd.tile.s32 @!p0 $0x1;
	_ =	shalt  }
.Lfunc_end2:
_tile_overlayer_lowered:
.L_overlay_start_2:
0x150: {  	(tag) =	ssettag $0x2  }
0x151: {  	s0 =	rddreg [dreg:$0x0];
	s2 =	stileid.u32  }
0x152: {  	s1 =	rddreg [dreg:$0x1];
	p0 =	sne.s32 s2, $0x0  }
0x153: {  	s3 =	rddreg [dreg:$0x2];
	[bflag:$0x3] =	sbarrier.arrive $0xFFFF;
	s2 =	simm.s32 @!p0 $0x1C05  }
0x154: {  	[timem:s3], [sflag:s2] =	dma.local @!p0 [hbm:s0], s1  }
0x155: {  	s0 =	simm.s32 @!p0 $0x5  }
0x156: {  	_ =	swait.ge @!p0 [sflag:s0], s1  }
0x157: {  	s1 =	ssub.s32 @!p0 $0x0, s1;
	[sflag:s0] =	ssyncset.done @!p0 $0x0  }
0x158: {  	[sflag:s0] =	ssyncadd.s32 @!p0 s1  }
0x159: {  	[bflag:$0x3] =	sbarrier.arrive $0xFFFF  }
0x15a: {  	_ =	shalt  }

</sc_bundles>
